<compile_context>
chip_gen: v7x
topology: tpu7x:2x2x1
jax: 0.10.2.dev20260603
libtpu: 0.0.44.dev20260713+nightly
codegen_flags: <defaults>
</compile_context>

<pallas_src>
import functools

import jax
import jax.numpy as jnp
from jax import lax
from jax.experimental import pallas as pl
from jax.experimental.pallas import tpu as pltpu
from jax.experimental.pallas import tpu_sc as plsc

B, S, D = 2, 512, 768
H = 12
HD = D // H
E = 8
K = 2
HID = 1280
T = B * S
BM = 256
P = 4096
NT = P // BM
NW = 32



def _ln_body(x_ref, g_ref, b_ref, o_ref):
    xv = x_ref[...]
    mu = jnp.mean(xv, axis=1, keepdims=True)
    xc = xv - mu
    var = jnp.mean(xc * xc, axis=1, keepdims=True)
    o_ref[...] = (xc / jnp.sqrt(var + 1e-5) * g_ref[...] + b_ref[...]
                  ).astype(jnp.bfloat16)


def _ln1(xf, g, b):
    return pl.pallas_call(
        _ln_body,
        grid=(8,),
        in_specs=[
            pl.BlockSpec((T // 8, D), lambda i: (i, 0)),
            pl.BlockSpec((1, D), lambda i: (0, 0)),
            pl.BlockSpec((1, D), lambda i: (0, 0)),
        ],
        out_specs=pl.BlockSpec((T // 8, D), lambda i: (i, 0)),
        out_shape=jax.ShapeDtypeStruct((T, D), jnp.bfloat16),
    )(xf, g, b)



_SR = 4


def _attn_body(x_ref, wq_ref, wk_ref, wv_ref, pi_ref, c_ref, s_ref, o_ref):
    xn = x_ref[0]
    wcat = jnp.concatenate([wq_ref[...], wk_ref[...], wv_ref[...]], axis=0)
    qkv = lax.dot_general(xn, wcat, (((1,), (1,)), ((), ())),
                          preferred_element_type=jnp.float32)
    q0 = qkv[:, :HD]
    k0 = qkv[:, HD:2 * HD]
    v = qkv[:, 2 * HD:].astype(jnp.bfloat16)
    pi = pi_ref[...]
    q = lax.dot_general(q0.astype(jnp.bfloat16), pi,
                        (((1,), (0,)), ((), ())),
                        preferred_element_type=jnp.float32)
    k = lax.dot_general(k0.astype(jnp.bfloat16), pi,
                        (((1,), (0,)), ((), ())),
                        preferred_element_type=jnp.float32)
    c = c_ref[...]
    s = s_ref[...]
    hh = HD // 2
    qe, qo = q[:, :hh], q[:, hh:]
    ke, ko = k[:, :hh], k[:, hh:]
    qr = jnp.concatenate([qe * c - qo * s, qe * s + qo * c],
                         axis=1).astype(jnp.bfloat16)
    kr = jnp.concatenate([ke * c - ko * s, ke * s + ko * c],
                         axis=1).astype(jnp.bfloat16)
    sc = lax.dot_general(qr, kr, (((1,), (1,)), ((), ())),
                         preferred_element_type=jnp.float32) * (1.0 / 8.0)
    ri = lax.broadcasted_iota(jnp.int32, (S, S), 0)
    ci = lax.broadcasted_iota(jnp.int32, (S, S), 1)
    sc = jnp.where(ri >= ci, sc, jnp.finfo(jnp.float32).min)
    mx = jnp.max(sc, axis=1, keepdims=True)
    p = jnp.exp(sc - mx)
    inv = 1.0 / jnp.sum(p, axis=1, keepdims=True)
    ov = lax.dot_general(p.astype(jnp.bfloat16), v, (((1,), (0,)), ((), ())),
                         preferred_element_type=jnp.float32)
    o_ref[0, 0] = (ov * inv).astype(jnp.bfloat16)


def _attention(xn3, wqkv, pi64, cos, sin):
    wblk = lambda off: pl.BlockSpec(
        (HD, D), lambda bi, h, o=off: (o + h, 0))
    return pl.pallas_call(
        _attn_body,
        grid=(B, H),
        in_specs=[
            pl.BlockSpec((1, S, D), lambda bi, h: (bi, 0, 0)),
            wblk(0), wblk(H), wblk(2 * H),
            pl.BlockSpec((HD, HD), lambda bi, h: (0, 0)),
            pl.BlockSpec((S, HD // 2), lambda bi, h: (0, 0)),
            pl.BlockSpec((S, HD // 2), lambda bi, h: (0, 0)),
        ],
        out_specs=pl.BlockSpec((1, 1, S, HD), lambda bi, h: (h, bi, 0, 0)),
        out_shape=jax.ShapeDtypeStruct((H, B, S, HD), jnp.bfloat16),
    )(xn3, wqkv, wqkv, wqkv, pi64, cos, sin)



_CT = 128


def _post_body(x_ref, ao_ref, ow_ref, g_ref, b_ref, gw_ref,
               xmid_ref, xn_ref, lg_ref, ed_ref):
    acc = x_ref[...]
    for h in range(H):
        acc = acc + lax.dot_general(
            ao_ref[h], ow_ref[h], (((1,), (1,)), ((), ())),
            preferred_element_type=jnp.float32)
    xmid_ref[...] = acc
    mu = jnp.mean(acc, axis=1, keepdims=True)
    xc = acc - mu
    var = jnp.mean(xc * xc, axis=1, keepdims=True)
    xn = xc / jnp.sqrt(var + 1e-5) * g_ref[...] + b_ref[...]
    xnb = xn.astype(jnp.bfloat16)
    xn_ref[...] = xnb
    lg = lax.dot_general(xnb, gw_ref[...], (((1,), (1,)), ((), ())),
                         preferred_element_type=jnp.float32)
    lg_ref[...] = lg
    col = lax.broadcasted_iota(jnp.int32, (_CT, 128), 1)
    lgm = jnp.where(col < E, lg, -1e30)
    mx = jnp.max(lgm, axis=1, keepdims=True)
    p = jnp.exp(lgm - mx)
    p = p / jnp.sum(p, axis=1, keepdims=True)
    eds = jnp.sum(p, axis=0, keepdims=True)

    @pl.when(pl.program_id(0) == 0)
    def _():
        ed_ref[...] = jnp.zeros((1, 128), jnp.float32)

    ed_ref[...] += eds


def _post_attn(xf, ao3, ow3, g, b, gwp):
    nct = T // _CT
    return pl.pallas_call(
        _post_body,
        grid=(nct,),
        in_specs=[
            pl.BlockSpec((_CT, D), lambda i: (i, 0)),
            pl.BlockSpec((H, _CT, HD), lambda i: (0, i, 0)),
            pl.BlockSpec((H, D, HD), lambda i: (0, 0, 0)),
            pl.BlockSpec((1, D), lambda i: (0, 0)),
            pl.BlockSpec((1, D), lambda i: (0, 0)),
            pl.BlockSpec((128, D), lambda i: (0, 0)),
        ],
        out_specs=[
            pl.BlockSpec((_CT, D), lambda i: (i, 0)),
            pl.BlockSpec((_CT, D), lambda i: (i, 0)),
            pl.BlockSpec((_CT, 128), lambda i: (i, 0)),
            pl.BlockSpec((1, 128), lambda i: (0, 0)),
        ],
        out_shape=[
            jax.ShapeDtypeStruct((T, D), jnp.float32),
            jax.ShapeDtypeStruct((T, D), jnp.bfloat16),
            jax.ShapeDtypeStruct((T, 128), jnp.float32),
            jax.ShapeDtypeStruct((1, 128), jnp.float32),
        ],
    )(xf, ao3, ow3, g, b, gwp)



@functools.lru_cache(maxsize=None)
def _sc_gather_fn(n_idx, d):
    bpw = n_idx // NW
    mesh = plsc.VectorSubcoreMesh(core_axis_name="c", subcore_axis_name="s")

    @functools.partial(
        pl.kernel, mesh=mesh,
        out_type=jax.ShapeDtypeStruct((n_idx, d), jnp.float32),
        scratch_types=[
            pltpu.VMEM((bpw,), jnp.int32),
            pltpu.VMEM((bpw, d), jnp.float32),
            pltpu.SemaphoreType.DMA,
        ],
    )
    def gk(table_hbm, idx_hbm, out_hbm, idx_v, rows_v, sem):
        wid = lax.axis_index("s") * 2 + lax.axis_index("c")
        base = wid * bpw
        pltpu.sync_copy(idx_hbm.at[pl.ds(base, bpw)], idx_v)
        pltpu.async_copy(table_hbm.at[idx_v], rows_v, sem).wait()
        pltpu.sync_copy(rows_v, out_hbm.at[pl.ds(base, bpw)])

    return gk


def _gather_rows(table, idx):
    return _sc_gather_fn(idx.shape[0], table.shape[1])(table, idx)



def _ffn_body(te_ref, ta_ref, d2_ref, wf_ref, xn_ref, wg_ref, wu_ref, wd_ref,
              o_ref, wgb_ref, wub_ref, wdb_ref):
    i = pl.program_id(0)
    te = te_ref[i]
    prev = te_ref[jnp.maximum(i - 1, 0)]
    act = ta_ref[i]

    @pl.when(((i == 0) | (te != prev)) & (act != 0))
    def _():
        wgb_ref[...] = wg_ref[0].astype(jnp.bfloat16)
        wub_ref[...] = wu_ref[0].astype(jnp.bfloat16)
        wdb_ref[...] = wd_ref[0].astype(jnp.bfloat16)

    @pl.when(act != 0)
    def _():
        rid = i * BM + lax.broadcasted_iota(jnp.int32, (BM, 1), 0)
        d0 = d2_ref[0, :]
        d1 = d2_ref[1, :]
        oh0 = (d0[None, :] == rid).astype(jnp.float32)
        oh1 = (d1[None, :] == rid).astype(jnp.float32)
        ohs = oh0 + oh1
        xs = lax.dot_general(ohs.astype(jnp.bfloat16), xn_ref[...],
                             (((1,), (0,)), ((), ())),
                             preferred_element_type=jnp.float32
                             ).astype(jnp.bfloat16)
        wv = (lax.dot_general(oh0, wf_ref[0, :], (((1,), (0,)), ((), ())),
                              preferred_element_type=jnp.float32)
              + lax.dot_general(oh1, wf_ref[1, :], (((1,), (0,)), ((), ())),
                                preferred_element_type=jnp.float32))
        g = lax.dot_general(xs, wgb_ref[...], (((1,), (1,)), ((), ())),
                            preferred_element_type=jnp.float32)
        u = lax.dot_general(xs, wub_ref[...], (((1,), (1,)), ((), ())),
                            preferred_element_type=jnp.float32)
        h = (g * lax.logistic(g) * u).astype(jnp.bfloat16)
        o = lax.dot_general(h, wdb_ref[...], (((1,), (1,)), ((), ())),
                            preferred_element_type=jnp.float32)
        o_ref[...] = o * wv[:, None]

    @pl.when(act == 0)
    def _():
        o_ref[...] = jnp.zeros((BM, D), jnp.float32)


def _grouped_ffn(tile_e, tile_act, dest2, wf2, xn2b, wg, wu, wd):
    return pl.pallas_call(
        _ffn_body,
        grid_spec=pltpu.PrefetchScalarGridSpec(
            num_scalar_prefetch=2,
            grid=(NT,),
            in_specs=[
                pl.BlockSpec((K, T), lambda i, te, ta: (0, 0)),
                pl.BlockSpec((K, T), lambda i, te, ta: (0, 0)),
                pl.BlockSpec((T, D), lambda i, te, ta: (0, 0)),
                pl.BlockSpec((1, HID, D), lambda i, te, ta: (te[i], 0, 0)),
                pl.BlockSpec((1, HID, D), lambda i, te, ta: (te[i], 0, 0)),
                pl.BlockSpec((1, D, HID), lambda i, te, ta: (te[i], 0, 0)),
            ],
            out_specs=pl.BlockSpec((BM, D), lambda i, te, ta: (i, 0)),
            scratch_shapes=[
                pltpu.VMEM((HID, D), jnp.bfloat16),
                pltpu.VMEM((HID, D), jnp.bfloat16),
                pltpu.VMEM((D, HID), jnp.bfloat16),
            ],
        ),
        out_shape=jax.ShapeDtypeStruct((P, D), jnp.float32),
    )(tile_e, tile_act, dest2, wf2, xn2b, wg, wu, wd)



def _final_body(xm_ref, c0_ref, c1_ref, o_ref):
    o_ref[...] = xm_ref[...] + c0_ref[...] + c1_ref[...]


def _final_add(xmid, comb):
    return pl.pallas_call(
        _final_body,
        grid=(4,),
        in_specs=[
            pl.BlockSpec((T // 4, D), lambda i: (i, 0)),
            pl.BlockSpec((T // 4, D), lambda i: (i, 0)),
            pl.BlockSpec((T // 4, D), lambda i: (4 + i, 0)),
        ],
        out_specs=pl.BlockSpec((T // 4, D), lambda i: (i, 0)),
        out_shape=jax.ShapeDtypeStruct((T, D), jnp.float32),
    )(xmid, comb, comb)



def kernel(x, qkv_w, o_w, ln1_g, ln1_b, ln2_g, ln2_b, gate_w, wg, wu, wd):
    xf = x.reshape(T, D)

    inv_freq = 1.0 / (10000.0 ** (
        jnp.arange(0, HD, 2, dtype=jnp.float32) / HD))
    tt = jnp.arange(S, dtype=jnp.float32)
    freqs = tt[:, None] * inv_freq[None, :]
    cos = jnp.cos(freqs)
    sin = jnp.sin(freqs)

    wqkv = qkv_w.astype(jnp.bfloat16)
    ow3 = o_w.astype(jnp.bfloat16).reshape(D, H, HD).transpose(1, 0, 2)
    old = jnp.concatenate([jnp.arange(0, HD, 2, dtype=jnp.int32),
                           jnp.arange(1, HD, 2, dtype=jnp.int32)])
    pi64 = (old[:, None] ==
            jnp.arange(HD, dtype=jnp.int32)[None, :]).astype(jnp.bfloat16).T

    xnb = _ln1(xf, ln1_g.reshape(1, D), ln1_b.reshape(1, D))
    ao3 = _attention(xnb.reshape(B, S, D), wqkv, pi64, cos,
                     sin).reshape(H, T, HD)

    gwp = jnp.pad(gate_w, ((0, 128 - E), (0, 0))).astype(jnp.bfloat16)
    xmid, xn2b, logits, edp = _post_attn(
        xf, ao3, ow3, ln2_g.reshape(1, D), ln2_b.reshape(1, D), gwp)
    ed = edp[0, :E] * (1.0 / T)
    lb = jnp.float32(E) * jnp.sum(ed * ed)

    tw, ti = lax.top_k(logits[:, :E], K)
    tw = jax.nn.softmax(tw, axis=-1)
    e_flat = ti.reshape(-1).astype(jnp.int32)
    w_flat = tw.reshape(-1)
    onehot = (e_flat[:, None] == jnp.arange(E, dtype=jnp.int32)[None, :])
    onehot = onehot.astype(jnp.int32)
    rank = jnp.sum((jnp.cumsum(onehot, axis=0) - onehot) * onehot, axis=1)
    sizes = jnp.sum(onehot, axis=0)
    padded = ((sizes + BM - 1) // BM) * BM
    cum = jnp.cumsum(padded)
    offs = cum - padded
    dest = (offs[e_flat] + rank).astype(jnp.int32)
    dest2 = dest.reshape(T, K).T
    wf2 = w_flat.reshape(T, K).T
    tile_e = jnp.minimum(
        jnp.searchsorted(cum, jnp.arange(NT, dtype=jnp.int32) * BM,
                         side='right'),
        E - 1).astype(jnp.int32)
    ends = offs + sizes
    tile_act = (jnp.arange(NT, dtype=jnp.int32) * BM
                < ends[tile_e]).astype(jnp.int32)

    out_p = _grouped_ffn(tile_e, tile_act, dest2, wf2, xn2b, wg, wu, wd)
    comb = _gather_rows(out_p, dest2.reshape(K * T))
    y = _final_add(xmid, comb)

    return (y.reshape(B, S, D), lb, ed)

# --- scband reference (transcript-rebuilt; emitter-appended) ---
"""Pipeline reference for scband-optimized-transformer-block-57655640982116 (READ-ONLY COPY).

The authoritative reference and input builder live on the scoring server;
editing this copy changes nothing except your own understanding.
"""

import jax, jax.numpy as jnp
import numpy as np

B, S, D = 2, 512, 768
NUM_HEADS = 12
HEAD_DIM = D // NUM_HEADS
E = 8
TOP_K = 2
HID = 1280  # int(768*5/3)=1280, already a multiple of 256
MAX_SEQ = 512


def setup_inputs(seed: int = 0) -> dict:
    key = jax.random.key(seed)
    ks = jax.random.split(key, 12)
    inp = {}
    inp["x"] = jax.random.normal(ks[0], (B, S, D), dtype=jnp.float32)
    inp["qkv_w"] = jax.random.normal(ks[1], (3 * D, D), dtype=jnp.float32) * 0.02
    inp["o_w"] = jax.random.normal(ks[2], (D, D), dtype=jnp.float32) * 0.02
    inp["ln1_g"] = jnp.ones((D,), dtype=jnp.float32)
    inp["ln1_b"] = jnp.zeros((D,), dtype=jnp.float32)
    inp["ln2_g"] = jnp.ones((D,), dtype=jnp.float32)
    inp["ln2_b"] = jnp.zeros((D,), dtype=jnp.float32)
    inp["gate_w"] = jax.random.normal(ks[3], (E, D), dtype=jnp.float32) * 0.02
    inp["wg"] = jax.random.normal(ks[4], (E, HID, D), dtype=jnp.float32) * 0.02
    inp["wu"] = jax.random.normal(ks[5], (E, HID, D), dtype=jnp.float32) * 0.02
    inp["wd"] = jax.random.normal(ks[6], (E, D, HID), dtype=jnp.float32) * 0.02
    return inp


def _layernorm(x, g, b):
    m = jnp.mean(x, axis=-1, keepdims=True)
    v = jnp.mean((x - m) ** 2, axis=-1, keepdims=True)
    return (x - m) / jnp.sqrt(v + 1e-5) * g + b


def _rope(x, cos, sin):
    b, s, h, d = x.shape
    xr = x.reshape(b, s, h, d // 2, 2)
    xe = xr[..., 0]
    xo = xr[..., 1]
    c = cos[:s][None, :, None, :]
    sn = sin[:s][None, :, None, :]
    ye = xe * c - xo * sn
    yo = xe * sn + xo * c
    return jnp.stack((ye, yo), axis=-1).reshape(b, s, h, d)


def reference(x, qkv_w, o_w, ln1_g, ln1_b, ln2_g, ln2_b, gate_w, wg, wu, wd):
    b, s, d = x.shape
    # RoPE tables (deterministic buffers)
    inv_freq = 1.0 / (10000.0 ** (jnp.arange(0, HEAD_DIM, 2, dtype=jnp.float32) / HEAD_DIM))
    t = jnp.arange(MAX_SEQ, dtype=jnp.float32)
    freqs = jnp.einsum('i,j->ij', t, inv_freq)
    cos = jnp.cos(freqs)
    sin = jnp.sin(freqs)

    # --- attention sub-block ---
    residual = x
    xn = _layernorm(x, ln1_g, ln1_b)
    qkv = xn @ qkv_w.T
    q, k, v = jnp.split(qkv, 3, axis=-1)
    q = q.reshape(b, s, NUM_HEADS, HEAD_DIM)
    k = k.reshape(b, s, NUM_HEADS, HEAD_DIM)
    v = v.reshape(b, s, NUM_HEADS, HEAD_DIM)
    q = _rope(q, cos, sin)
    k = _rope(k, cos, sin)
    q = q.transpose(0, 2, 1, 3)
    k = k.transpose(0, 2, 1, 3)
    v = v.transpose(0, 2, 1, 3)
    scores = (q @ k.transpose(0, 1, 3, 2)) / jnp.sqrt(jnp.float32(HEAD_DIM))
    causal = jnp.tril(jnp.ones((s, s), dtype=bool))
    scores = jnp.where(causal[None, None, :, :], scores, jnp.finfo(jnp.float32).min)
    attn = jax.nn.softmax(scores, axis=-1)
    ao = (attn @ v).transpose(0, 2, 1, 3).reshape(b, s, d)
    x = residual + ao @ o_w.T

    # --- MoE sub-block ---
    residual = x
    xn = _layernorm(x, ln2_g, ln2_b)
    xf = xn.reshape(-1, d)
    logits = (xf.astype(jnp.bfloat16) @ gate_w.T.astype(jnp.bfloat16)).astype(jnp.float32)
    topk_w, topk_idx = jax.lax.top_k(logits, TOP_K)
    topk_w = jax.nn.softmax(topk_w, axis=-1)
    probs = jax.nn.softmax(logits, axis=-1)
    lb_loss = E * jnp.sum(jnp.mean(probs, axis=0) ** 2)
    expert_dist = jnp.mean(probs, axis=0)
    # dense masked dispatch: mathematically identical to the
    # sort/split/index_add dispatch in the torch module
    onehot = jax.nn.one_hot(topk_idx, E, dtype=xf.dtype)  # [T,K,E]
    combine = jnp.sum(onehot * topk_w[..., None], axis=1)  # [T,E]
    g = jnp.einsum('td,ehd->teh', xf, wg)
    u = jnp.einsum('td,ehd->teh', xf, wu)
    a = jax.nn.silu(g) * u
    eo = jnp.einsum('teh,edh->ted', a, wd)
    moe = jnp.sum(eo * combine[:, :, None], axis=1).reshape(b, s, d)
    x = residual + moe
    return (x, lb_loss, expert_dist)

if __name__ == "__main__":
    import jax
    _d = setup_inputs()
    print(jax.jit(kernel)(*tuple(_d.values())))

</pallas_src>

<mosaic_0001>
#map = affine_map<(d0, d1) -> (0, 0)>
#map1 = affine_map<(d0, d1) -> (0)>
module attributes {stable_mosaic.version = 14 : i64} {
  func.func @gk(%arg0: i32, %arg1: i32, %arg2: memref<4096x768xf32, #tpu.memory_space<hbm>>, %arg3: memref<2048xi32, #tpu.memory_space<hbm>>, %arg4: memref<2048x768xf32, #tpu.memory_space<hbm>>, %arg5: memref<64xi32, #tpu.memory_space<vmem>>, %arg6: memref<64x768xf32, #tpu.memory_space<vmem>>, %arg7: memref<!tpu.dma_semaphore, #tpu.memory_space<semaphore_mem>>) attributes {dimension_semantics = [#tpu.dimension_semantics<core_parallel>, #tpu.dimension_semantics<subcore_parallel>], iteration_bounds = array<i64: 2, 16>, scalar_prefetch = 0 : i64, scratch_operands = 3 : i64, tpu.core_type = #tpu.core_type<sc_vector_subcore>, window_params = [{transform_indices = #map}, {transform_indices = #map1}, {transform_indices = #map}]} {
    %mul3A = arith.constant 2 : i32
    %mul3A_0 = arith.muli %arg1, %mul3A : i32
    %add3A = arith.addi %mul3A_0, %arg0 : i32
    %mul3A_1 = arith.constant 64 : i32
    %mul3A_2 = arith.muli %add3A, %mul3A_1 : i32
    "tpu.region"() ({
      %run_scoped3A = tpu.sem_alloc : memref<!tpu.dma_semaphore, #tpu.memory_space<semaphore_mem>>
      %dma_start3A_7 = tpu.memref_slice %arg3[%mul3A_2] : memref<2048xi32, #tpu.memory_space<hbm>> -> memref<64xi32, #tpu.memory_space<hbm>>
      %dma_start3A_8 = tpu.memref_slice %arg3[%mul3A_2] : memref<2048xi32, #tpu.memory_space<hbm>> -> memref<64xi32, #tpu.memory_space<hbm>>
      tpu.enqueue_dma source(%dma_start3A_8 : memref<64xi32, #tpu.memory_space<hbm>>) target(%arg5 : memref<64xi32, #tpu.memory_space<vmem>>) target_semaphore(%run_scoped3A : memref<!tpu.dma_semaphore, #tpu.memory_space<semaphore_mem>>)
      %dma_wait3A_9 = tpu.memref_slice %arg3[%mul3A_2] : memref<2048xi32, #tpu.memory_space<hbm>> -> memref<64xi32, #tpu.memory_space<hbm>>
      %dma_wait3A_10 = tpu.memref_slice %arg3[%mul3A_2] : memref<2048xi32, #tpu.memory_space<hbm>> -> memref<64xi32, #tpu.memory_space<hbm>>
      tpu.wait_dma2 semaphore(%run_scoped3A : memref<!tpu.dma_semaphore, #tpu.memory_space<semaphore_mem>>) src(%dma_wait3A_10 : memref<64xi32, #tpu.memory_space<hbm>>) dst(%arg5 : memref<64xi32, #tpu.memory_space<vmem>>)
      tpu.yield
    }) : () -> ()
    %dma_start3A = arith.constant 0 : i32
    %dma_start3A_3 = arith.constant 0 : i32
    %dma_start3A_4 = tpu.memref_slice %arg2[%dma_start3A, %dma_start3A_3] : memref<4096x768xf32, #tpu.memory_space<hbm>> -> memref<4096x768xf32, #tpu.memory_space<hbm>>
    tpu.enqueue_indirect_dma source(%dma_start3A_4 : memref<4096x768xf32, #tpu.memory_space<hbm>>) target(%arg6 : memref<64x768xf32, #tpu.memory_space<vmem>>) offsets(%arg5 : memref<64xi32, #tpu.memory_space<vmem>>) semaphore(%arg7 : memref<!tpu.dma_semaphore, #tpu.memory_space<semaphore_mem>>)
    %dma_wait3A = arith.constant 0 : i32
    %dma_wait3A_5 = arith.constant 0 : i32
    %dma_wait3A_6 = tpu.memref_slice %arg2[%dma_wait3A, %dma_wait3A_5] : memref<4096x768xf32, #tpu.memory_space<hbm>> -> memref<4096x768xf32, #tpu.memory_space<hbm>>
    tpu.wait_indirect_dma semaphore(%arg7 : memref<!tpu.dma_semaphore, #tpu.memory_space<semaphore_mem>>) src(%dma_wait3A_6 : memref<4096x768xf32, #tpu.memory_space<hbm>>) dst(%arg6 : memref<64x768xf32, #tpu.memory_space<vmem>>)
    "tpu.region"() ({
      %run_scoped3A = tpu.sem_alloc : memref<!tpu.dma_semaphore, #tpu.memory_space<semaphore_mem>>
      %dma_start3A_7 = arith.constant 0 : i32
      %dma_start3A_8 = tpu.memref_slice %arg4[%mul3A_2, %dma_start3A_7] : memref<2048x768xf32, #tpu.memory_space<hbm>> -> memref<64x768xf32, #tpu.memory_space<hbm>>
      %dma_start3A_9 = arith.constant 0 : i32
      %dma_start3A_10 = tpu.memref_slice %arg4[%mul3A_2, %dma_start3A_9] : memref<2048x768xf32, #tpu.memory_space<hbm>> -> memref<64x768xf32, #tpu.memory_space<hbm>>
      tpu.enqueue_dma source(%arg6 : memref<64x768xf32, #tpu.memory_space<vmem>>) target(%dma_start3A_10 : memref<64x768xf32, #tpu.memory_space<hbm>>) target_semaphore(%run_scoped3A : memref<!tpu.dma_semaphore, #tpu.memory_space<semaphore_mem>>)
      %dma_wait3A_11 = arith.constant 0 : i32
      %dma_wait3A_12 = tpu.memref_slice %arg4[%mul3A_2, %dma_wait3A_11] : memref<2048x768xf32, #tpu.memory_space<hbm>> -> memref<64x768xf32, #tpu.memory_space<hbm>>
      %dma_wait3A_13 = arith.constant 0 : i32
      %dma_wait3A_14 = tpu.memref_slice %arg4[%mul3A_2, %dma_wait3A_13] : memref<2048x768xf32, #tpu.memory_space<hbm>> -> memref<64x768xf32, #tpu.memory_space<hbm>>
      tpu.wait_dma2 semaphore(%run_scoped3A : memref<!tpu.dma_semaphore, #tpu.memory_space<semaphore_mem>>) src(%arg6 : memref<64x768xf32, #tpu.memory_space<vmem>>) dst(%dma_wait3A_14 : memref<64x768xf32, #tpu.memory_space<hbm>>)
      tpu.yield
    }) : () -> ()
    return
  }
}

module attributes {stable_mosaic.version = 14 : i64} {
  func.func @_ln_body(%arg0: i32, %arg1: memref<128x768xf32, #tpu.memory_space<vmem>>, %arg2: memref<1x768xf32, #tpu.memory_space<vmem>>, %arg3: memref<1x768xf32, #tpu.memory_space<vmem>>, %arg4: memref<128x768xbf16, #tpu.memory_space<vmem>>) attributes {dimension_semantics = [#tpu.dimension_semantics<arbitrary>], iteration_bounds = array<i64: 8>, scalar_prefetch = 0 : i64, scratch_operands = 0 : i64, tpu.core_type = #tpu.core_type<tc>, window_params = [{transform_indices = @transform_0, window_bounds = array<i64: 128, 768>}, {pipeline_mode = #tpu.pipeline_mode<synchronous>, transform_indices = @transform_1, window_bounds = array<i64: 1, 768>}, {pipeline_mode = #tpu.pipeline_mode<synchronous>, transform_indices = @transform_2, window_bounds = array<i64: 1, 768>}, {transform_indices = @transform_3, window_bounds = array<i64: 128, 768>}]} {
    %get3A = arith.constant 0 : index
    %get3A_0 = arith.constant 0 : index
    %get3A_1 = vector.load %arg1[%get3A, %get3A_0] : memref<128x768xf32, #tpu.memory_space<vmem>>, vector<128x768xf32>
    %reduce_sum3A = arith.constant dense<0.000000e+00> : vector<128xf32>
    %reduce_sum3A_2 = vector.multi_reduction <add>, %get3A_1, %reduce_sum3A [1] : vector<128x768xf32> to vector<128xf32>
    %broadcast_in_dim3A = vector.shape_cast %reduce_sum3A_2 : vector<128xf32> to vector<128x1xf32>
    %div3A = arith.constant 7.680000e+02 : f32
    %div3A_3 = vector.broadcast %div3A : f32 to vector<128x1xf32>
    %div3A_4 = arith.divf %broadcast_in_dim3A, %div3A_3 : vector<128x1xf32>
    %sub3A = vector.broadcast %div3A_4 : vector<128x1xf32> to vector<128x768xf32>
    %sub3A_5 = arith.subf %get3A_1, %sub3A : vector<128x768xf32>
    %mul3A = arith.mulf %sub3A_5, %sub3A_5 : vector<128x768xf32>
    %reduce_sum3A_6 = arith.constant dense<0.000000e+00> : vector<128xf32>
    %reduce_sum3A_7 = vector.multi_reduction <add>, %mul3A, %reduce_sum3A_6 [1] : vector<128x768xf32> to vector<128xf32>
    %broadcast_in_dim3A_8 = vector.shape_cast %reduce_sum3A_7 : vector<128xf32> to vector<128x1xf32>
    %div3A_9 = arith.constant 7.680000e+02 : f32
    %div3A_10 = vector.broadcast %div3A_9 : f32 to vector<128x1xf32>
    %div3A_11 = arith.divf %broadcast_in_dim3A_8, %div3A_10 : vector<128x1xf32>
    %add3A = arith.constant 9.99999974E-6 : f32
    %add3A_12 = vector.broadcast %add3A : f32 to vector<128x1xf32>
    %add3A_13 = arith.addf %div3A_11, %add3A_12 : vector<128x1xf32>
    %sqrt3A = math.sqrt %add3A_13 : vector<128x1xf32>
    %div3A_14 = vector.broadcast %sqrt3A : vector<128x1xf32> to vector<128x768xf32>
    %div3A_15 = arith.divf %sub3A_5, %div3A_14 : vector<128x768xf32>
    %get3A_16 = arith.constant 0 : index
    %get3A_17 = arith.constant 0 : index
    %get3A_18 = vector.load %arg2[%get3A_16, %get3A_17] : memref<1x768xf32, #tpu.memory_space<vmem>>, vector<1x768xf32>
    %mul3A_19 = vector.broadcast %get3A_18 : vector<1x768xf32> to vector<128x768xf32>
    %mul3A_20 = arith.mulf %div3A_15, %mul3A_19 : vector<128x768xf32>
    %get3A_21 = arith.constant 0 : index
    %get3A_22 = arith.constant 0 : index
    %get3A_23 = vector.load %arg3[%get3A_21, %get3A_22] : memref<1x768xf32, #tpu.memory_space<vmem>>, vector<1x768xf32>
    %add3A_24 = vector.broadcast %get3A_23 : vector<1x768xf32> to vector<128x768xf32>
    %add3A_25 = arith.addf %mul3A_20, %add3A_24 : vector<128x768xf32>
    %convert_element_type3A = arith.truncf %add3A_25 : vector<128x768xf32> to vector<128x768xbf16>
    %swap3A = arith.constant 0 : index
    %swap3A_26 = arith.constant 0 : index
    %swap3A_27 = vector.load %arg4[%swap3A, %swap3A_26] : memref<128x768xbf16, #tpu.memory_space<vmem>>, vector<128x768xbf16>
    tpu.vector_store %arg4[%swap3A, %swap3A_26], %convert_element_type3A {strides = array<i32>} : memref<128x768xbf16, #tpu.memory_space<vmem>>, vector<128x768xbf16>,
    return
  }
  func.func @transform_0(%arg0: i32) -> (i32, i32) {
    %c0_i32 = arith.constant 0 : i32
    %c0_i32_0 = arith.constant 0 : i32
    return %arg0, %c0_i32 : i32, i32
  }
  func.func @transform_1(%arg0: i32) -> (i32, i32) {
    %c0_i32 = arith.constant 0 : i32
    %c0_i32_0 = arith.constant 0 : i32
    %c0_i32_1 = arith.constant 0 : i32
    return %c0_i32, %c0_i32_0 : i32, i32
  }
  func.func @transform_2(%arg0: i32) -> (i32, i32) {
    %c0_i32 = arith.constant 0 : i32
    %c0_i32_0 = arith.constant 0 : i32
    %c0_i32_1 = arith.constant 0 : i32
    return %c0_i32, %c0_i32_0 : i32, i32
  }
  func.func @transform_3(%arg0: i32) -> (i32, i32) {
    %c0_i32 = arith.constant 0 : i32
    %c0_i32_0 = arith.constant 0 : i32
    return %arg0, %c0_i32 : i32, i32
  }
}

module attributes {stable_mosaic.version = 14 : i64} {
  func.func @_attn_body(%arg0: i32, %arg1: i32, %arg2: memref<1x512x768xbf16, #tpu.memory_space<vmem>>, %arg3: memref<64x768xbf16, #tpu.memory_space<vmem>>, %arg4: memref<64x768xbf16, #tpu.memory_space<vmem>>, %arg5: memref<64x768xbf16, #tpu.memory_space<vmem>>, %arg6: memref<64x64xbf16, #tpu.memory_space<vmem>>, %arg7: memref<512x32xf32, #tpu.memory_space<vmem>>, %arg8: memref<512x32xf32, #tpu.memory_space<vmem>>, %arg9: memref<1x1x512x64xbf16, #tpu.memory_space<vmem>>) attributes {dimension_semantics = [#tpu.dimension_semantics<arbitrary>, #tpu.dimension_semantics<arbitrary>], iteration_bounds = array<i64: 2, 12>, scalar_prefetch = 0 : i64, scratch_operands = 0 : i64, tpu.core_type = #tpu.core_type<tc>, window_params = [{transform_indices = @transform_0, window_bounds = array<i64: 1, 512, 768>}, {transform_indices = @transform_1, window_bounds = array<i64: 64, 768>}, {transform_indices = @transform_2, window_bounds = array<i64: 64, 768>}, {transform_indices = @transform_3, window_bounds = array<i64: 64, 768>}, {pipeline_mode = #tpu.pipeline_mode<synchronous>, transform_indices = @transform_4, window_bounds = array<i64: 64, 64>}, {pipeline_mode = #tpu.pipeline_mode<synchronous>, transform_indices = @transform_5, window_bounds = array<i64: 512, 32>}, {pipeline_mode = #tpu.pipeline_mode<synchronous>, transform_indices = @transform_6, window_bounds = array<i64: 512, 32>}, {transform_indices = @transform_7, window_bounds = array<i64: 1, 1, 512, 64>}]} {
    %get3A = arith.constant 0 : index
    %get3A_0 = arith.constant 0 : index
    %get3A_1 = arith.constant 0 : index
    %get3A_2 = vector.load %arg2[%get3A, %get3A_0, %get3A_1] : memref<1x512x768xbf16, #tpu.memory_space<vmem>>, vector<1x512x768xbf16>
    %get3A_3 = vector.shape_cast %get3A_2 : vector<1x512x768xbf16> to vector<512x768xbf16>
    %get3A_4 = arith.constant 0 : index
    %get3A_5 = arith.constant 0 : index
    %get3A_6 = vector.load %arg3[%get3A_4, %get3A_5] : memref<64x768xbf16, #tpu.memory_space<vmem>>, vector<64x768xbf16>
    %get3A_7 = arith.constant 0 : index
    %get3A_8 = arith.constant 0 : index
    %get3A_9 = vector.load %arg4[%get3A_7, %get3A_8] : memref<64x768xbf16, #tpu.memory_space<vmem>>, vector<64x768xbf16>
    %get3A_10 = arith.constant 0 : index
    %get3A_11 = arith.constant 0 : index
    %get3A_12 = vector.load %arg5[%get3A_10, %get3A_11] : memref<64x768xbf16, #tpu.memory_space<vmem>>, vector<64x768xbf16>
    %concatenate3A = tpu.concatenate %get3A_6, %get3A_9, %get3A_12 in 0 : vector<64x768xbf16>, vector<64x768xbf16>, vector<64x768xbf16> -> vector<192x768xbf16>
    %dot_general3A = arith.constant dense<0.000000e+00> : vector<512x192xf32>
    %dot_general3A_13 = tpu.matmul %get3A_3, %concatenate3A, %dot_general3A {dimension_numbers = #tpu.dot_dimension_numbers<[1], [1], [0], [0], [0, 0, 1, 0], [], []>, transpose_lhs_hint = false} : vector<512x768xbf16>, vector<192x768xbf16>, vector<512x192xf32> -> vector<512x192xf32>
    %slice3A = vector.extract_strided_slice %dot_general3A_13 {offsets = [0, 0], sizes = [512, 64], strides = [1, 1]} : vector<512x192xf32> to vector<512x64xf32>
    %slice3A_14 = vector.extract_strided_slice %dot_general3A_13 {offsets = [0, 64], sizes = [512, 64], strides = [1, 1]} : vector<512x192xf32> to vector<512x64xf32>
    %slice3A_15 = vector.extract_strided_slice %dot_general3A_13 {offsets = [0, 128], sizes = [512, 64], strides = [1, 1]} : vector<512x192xf32> to vector<512x64xf32>
    %convert_element_type3A = arith.truncf %slice3A_15 : vector<512x64xf32> to vector<512x64xbf16>
    %get3A_16 = arith.constant 0 : index
    %get3A_17 = arith.constant 0 : index
    %get3A_18 = vector.load %arg6[%get3A_16, %get3A_17] : memref<64x64xbf16, #tpu.memory_space<vmem>>, vector<64x64xbf16>
    %convert_element_type3A_19 = arith.truncf %slice3A : vector<512x64xf32> to vector<512x64xbf16>
    %dot_general3A_20 = arith.constant dense<0.000000e+00> : vector<512x64xf32>
    %dot_general3A_21 = tpu.matmul %convert_element_type3A_19, %get3A_18, %dot_general3A_20 {dimension_numbers = #tpu.dot_dimension_numbers<[1], [0], [0], [1], [0, 0, 1, 1], [], []>, transpose_lhs_hint = false} : vector<512x64xbf16>, vector<64x64xbf16>, vector<512x64xf32> -> vector<512x64xf32>
    %convert_element_type3A_22 = arith.truncf %slice3A_14 : vector<512x64xf32> to vector<512x64xbf16>
    %dot_general3A_23 = arith.constant dense<0.000000e+00> : vector<512x64xf32>
    %dot_general3A_24 = tpu.matmul %convert_element_type3A_22, %get3A_18, %dot_general3A_23 {dimension_numbers = #tpu.dot_dimension_numbers<[1], [0], [0], [1], [0, 0, 1, 1], [], []>, transpose_lhs_hint = false} : vector<512x64xbf16>, vector<64x64xbf16>, vector<512x64xf32> -> vector<512x64xf32>
    %get3A_25 = arith.constant 0 : index
    %get3A_26 = arith.constant 0 : index
    %get3A_27 = vector.load %arg7[%get3A_25, %get3A_26] : memref<512x32xf32, #tpu.memory_space<vmem>>, vector<512x32xf32>
    %get3A_28 = arith.constant 0 : index
    %get3A_29 = arith.constant 0 : index
    %get3A_30 = vector.load %arg8[%get3A_28, %get3A_29] : memref<512x32xf32, #tpu.memory_space<vmem>>, vector<512x32xf32>
    %slice3A_31 = vector.extract_strided_slice %dot_general3A_21 {offsets = [0, 0], sizes = [512, 32], strides = [1, 1]} : vector<512x64xf32> to vector<512x32xf32>
    %slice3A_32 = vector.extract_strided_slice %dot_general3A_21 {offsets = [0, 32], sizes = [512, 32], strides = [1, 1]} : vector<512x64xf32> to vector<512x32xf32>
    %slice3A_33 = vector.extract_strided_slice %dot_general3A_24 {offsets = [0, 0], sizes = [512, 32], strides = [1, 1]} : vector<512x64xf32> to vector<512x32xf32>
    %slice3A_34 = vector.extract_strided_slice %dot_general3A_24 {offsets = [0, 32], sizes = [512, 32], strides = [1, 1]} : vector<512x64xf32> to vector<512x32xf32>
    %mul3A = arith.mulf %slice3A_31, %get3A_27 : vector<512x32xf32>
    %mul3A_35 = arith.mulf %slice3A_32, %get3A_30 : vector<512x32xf32>
    %sub3A = arith.subf %mul3A, %mul3A_35 : vector<512x32xf32>
    %mul3A_36 = arith.mulf %slice3A_31, %get3A_30 : vector<512x32xf32>
    %mul3A_37 = arith.mulf %slice3A_32, %get3A_27 : vector<512x32xf32>
    %add3A = arith.addf %mul3A_36, %mul3A_37 : vector<512x32xf32>
    %concatenate3A_38 = tpu.concatenate %sub3A, %add3A in 1 : vector<512x32xf32>, vector<512x32xf32> -> vector<512x64xf32>
    %convert_element_type3A_39 = arith.truncf %concatenate3A_38 : vector<512x64xf32> to vector<512x64xbf16>
    %mul3A_40 = arith.mulf %slice3A_33, %get3A_27 : vector<512x32xf32>
    %mul3A_41 = arith.mulf %slice3A_34, %get3A_30 : vector<512x32xf32>
    %sub3A_42 = arith.subf %mul3A_40, %mul3A_41 : vector<512x32xf32>
    %mul3A_43 = arith.mulf %slice3A_33, %get3A_30 : vector<512x32xf32>
    %mul3A_44 = arith.mulf %slice3A_34, %get3A_27 : vector<512x32xf32>
    %add3A_45 = arith.addf %mul3A_43, %mul3A_44 : vector<512x32xf32>
    %concatenate3A_46 = tpu.concatenate %sub3A_42, %add3A_45 in 1 : vector<512x32xf32>, vector<512x32xf32> -> vector<512x64xf32>
    %convert_element_type3A_47 = arith.truncf %concatenate3A_46 : vector<512x64xf32> to vector<512x64xbf16>
    %dot_general3A_48 = arith.constant dense<0.000000e+00> : vector<512x512xf32>
    %dot_general3A_49 = tpu.matmul %convert_element_type3A_39, %convert_element_type3A_47, %dot_general3A_48 {dimension_numbers = #tpu.dot_dimension_numbers<[1], [1], [0], [0], [0, 0, 1, 0], [], []>, transpose_lhs_hint = false} : vector<512x64xbf16>, vector<512x64xbf16>, vector<512x512xf32> -> vector<512x512xf32>
    %mul3A_50 = arith.constant 1.250000e-01 : f32
    %mul3A_51 = vector.broadcast %mul3A_50 : f32 to vector<512x512xf32>
    %mul3A_52 = arith.mulf %dot_general3A_49, %mul3A_51 : vector<512x512xf32>
    %iota3A = tpu.iota {dimensions = array<i32: 0>} : vector<512x512xi32>
    %iota3A_53 = tpu.iota {dimensions = array<i32: 1>} : vector<512x512xi32>
    %ge3A = arith.cmpi sge, %iota3A, %iota3A_53 : vector<512x512xi32>
    %jit3A = arith.constant -3.40282347E+38 : f32
    %broadcast_in_dim3A = vector.broadcast %jit3A : f32 to vector<512x512xf32>
    %select_n3A = arith.select %ge3A, %mul3A_52, %broadcast_in_dim3A : vector<512x512xi1>, vector<512x512xf32>
    %reduce_max3A = arith.constant dense<0xFF800000> : vector<512xf32>
    %reduce_max3A_54 = vector.multi_reduction <maximumf>, %select_n3A, %reduce_max3A [1] : vector<512x512xf32> to vector<512xf32>
    %broadcast_in_dim3A_55 = vector.shape_cast %reduce_max3A_54 : vector<512xf32> to vector<512x1xf32>
    %sub3A_56 = vector.broadcast %broadcast_in_dim3A_55 : vector<512x1xf32> to vector<512x512xf32>
    %sub3A_57 = arith.subf %select_n3A, %sub3A_56 : vector<512x512xf32>
    %exp3A = math.exp %sub3A_57 : vector<512x512xf32>
    %reduce_sum3A = arith.constant dense<0.000000e+00> : vector<512xf32>
    %reduce_sum3A_58 = vector.multi_reduction <add>, %exp3A, %reduce_sum3A [1] : vector<512x512xf32> to vector<512xf32>
    %broadcast_in_dim3A_59 = vector.shape_cast %reduce_sum3A_58 : vector<512xf32> to vector<512x1xf32>
    %div3A = arith.constant 1.000000e+00 : f32
    %div3A_60 = vector.broadcast %div3A : f32 to vector<512x1xf32>
    %div3A_61 = arith.divf %div3A_60, %broadcast_in_dim3A_59 : vector<512x1xf32>
    %convert_element_type3A_62 = arith.truncf %exp3A : vector<512x512xf32> to vector<512x512xbf16>
    %dot_general3A_63 = arith.constant dense<0.000000e+00> : vector<512x64xf32>
    %dot_general3A_64 = tpu.matmul %convert_element_type3A_62, %convert_element_type3A, %dot_general3A_63 {dimension_numbers = #tpu.dot_dimension_numbers<[1], [0], [0], [1], [0, 0, 1, 1], [], []>, transpose_lhs_hint = false} : vector<512x512xbf16>, vector<512x64xbf16>, vector<512x64xf32> -> vector<512x64xf32>
    %mul3A_65 = vector.broadcast %div3A_61 : vector<512x1xf32> to vector<512x64xf32>
    %mul3A_66 = arith.mulf %dot_general3A_64, %mul3A_65 : vector<512x64xf32>
    %convert_element_type3A_67 = arith.truncf %mul3A_66 : vector<512x64xf32> to vector<512x64xbf16>
    %swap3A = arith.constant 0 : index
    %swap3A_68 = arith.constant 0 : index
    %swap3A_69 = arith.constant 0 : index
    %swap3A_70 = arith.constant 0 : index
    %swap3A_71 = vector.load %arg9[%swap3A, %swap3A_68, %swap3A_69, %swap3A_70] : memref<1x1x512x64xbf16, #tpu.memory_space<vmem>>, vector<1x1x512x64xbf16>
    %swap3A_72 = vector.shape_cast %swap3A_71 : vector<1x1x512x64xbf16> to vector<512x64xbf16>
    %swap3A_73 = vector.shape_cast %convert_element_type3A_67 : vector<512x64xbf16> to vector<1x1x512x64xbf16>
    tpu.vector_store %arg9[%swap3A, %swap3A_68, %swap3A_69, %swap3A_70], %swap3A_73 {strides = array<i32>} : memref<1x1x512x64xbf16, #tpu.memory_space<vmem>>, vector<1x1x512x64xbf16>,
    return
  }
  func.func @transform_0(%arg0: i32, %arg1: i32) -> (i32, i32, i32) {
    %c0_i32 = arith.constant 0 : i32
    %c0_i32_0 = arith.constant 0 : i32
    %c0_i32_1 = arith.constant 0 : i32
    return %arg0, %c0_i32, %c0_i32_0 : i32, i32, i32
  }
  func.func @transform_1(%arg0: i32, %arg1: i32) -> (i32, i32) {
    %add3A = arith.constant 0 : i32
    %add3A_0 = arith.addi %add3A, %arg1 : i32
    %c0_i32 = arith.constant 0 : i32
    %c0_i32_1 = arith.constant 0 : i32
    return %add3A_0, %c0_i32 : i32, i32
  }
  func.func @transform_2(%arg0: i32, %arg1: i32) -> (i32, i32) {
    %add3A = arith.constant 12 : i32
    %add3A_0 = arith.addi %add3A, %arg1 : i32
    %c0_i32 = arith.constant 0 : i32
    %c0_i32_1 = arith.constant 0 : i32
    return %add3A_0, %c0_i32 : i32, i32
  }
  func.func @transform_3(%arg0: i32, %arg1: i32) -> (i32, i32) {
    %add3A = arith.constant 24 : i32
    %add3A_0 = arith.addi %add3A, %arg1 : i32
    %c0_i32 = arith.constant 0 : i32
    %c0_i32_1 = arith.constant 0 : i32
    return %add3A_0, %c0_i32 : i32, i32
  }
  func.func @transform_4(%arg0: i32, %arg1: i32) -> (i32, i32) {
    %c0_i32 = arith.constant 0 : i32
    %c0_i32_0 = arith.constant 0 : i32
    %c0_i32_1 = arith.constant 0 : i32
    return %c0_i32, %c0_i32_0 : i32, i32
  }
  func.func @transform_5(%arg0: i32, %arg1: i32) -> (i32, i32) {
    %c0_i32 = arith.constant 0 : i32
    %c0_i32_0 = arith.constant 0 : i32
    %c0_i32_1 = arith.constant 0 : i32
    return %c0_i32, %c0_i32_0 : i32, i32
  }
  func.func @transform_6(%arg0: i32, %arg1: i32) -> (i32, i32) {
    %c0_i32 = arith.constant 0 : i32
    %c0_i32_0 = arith.constant 0 : i32
    %c0_i32_1 = arith.constant 0 : i32
    return %c0_i32, %c0_i32_0 : i32, i32
  }
  func.func @transform_7(%arg0: i32, %arg1: i32) -> (i32, i32, i32, i32) {
    %c0_i32 = arith.constant 0 : i32
    %c0_i32_0 = arith.constant 0 : i32
    %c0_i32_1 = arith.constant 0 : i32
    return %arg1, %arg0, %c0_i32, %c0_i32_0 : i32, i32, i32, i32
  }
}

module attributes {stable_mosaic.version = 14 : i64} {
  func.func @_post_body(%arg0: i32, %arg1: memref<128x768xf32, #tpu.memory_space<vmem>>, %arg2: memref<12x128x64xbf16, #tpu.memory_space<vmem>>, %arg3: memref<12x768x64xbf16, #tpu.memory_space<vmem>>, %arg4: memref<1x768xf32, #tpu.memory_space<vmem>>, %arg5: memref<1x768xf32, #tpu.memory_space<vmem>>, %arg6: memref<128x768xbf16, #tpu.memory_space<vmem>>, %arg7: memref<128x768xf32, #tpu.memory_space<vmem>>, %arg8: memref<128x768xbf16, #tpu.memory_space<vmem>>, %arg9: memref<128x128xf32, #tpu.memory_space<vmem>>, %arg10: memref<1x128xf32, #tpu.memory_space<vmem>>) attributes {dimension_semantics = [#tpu.dimension_semantics<arbitrary>], iteration_bounds = array<i64: 8>, scalar_prefetch = 0 : i64, scratch_operands = 0 : i64, tpu.core_type = #tpu.core_type<tc>, window_params = [{transform_indices = @transform_0, window_bounds = array<i64: 128, 768>}, {transform_indices = @transform_1, window_bounds = array<i64: 12, 128, 64>}, {pipeline_mode = #tpu.pipeline_mode<synchronous>, transform_indices = @transform_2, window_bounds = array<i64: 12, 768, 64>}, {pipeline_mode = #tpu.pipeline_mode<synchronous>, transform_indices = @transform_3, window_bounds = array<i64: 1, 768>}, {pipeline_mode = #tpu.pipeline_mode<synchronous>, transform_indices = @transform_4, window_bounds = array<i64: 1, 768>}, {pipeline_mode = #tpu.pipeline_mode<synchronous>, transform_indices = @transform_5, window_bounds = array<i64: 128, 768>}, {transform_indices = @transform_6, window_bounds = array<i64: 128, 768>}, {transform_indices = @transform_7, window_bounds = array<i64: 128, 768>}, {transform_indices = @transform_8, window_bounds = array<i64: 128, 128>}, {pipeline_mode = #tpu.pipeline_mode<synchronous>, transform_indices = @transform_9, window_bounds = array<i64: 1, 128>}]} {
    %get3A = arith.constant 0 : index
    %get3A_0 = arith.constant 0 : index
    %get3A_1 = vector.load %arg1[%get3A, %get3A_0] : memref<128x768xf32, #tpu.memory_space<vmem>>, vector<128x768xf32>
    %get3A_2 = arith.constant 0 : index
    %get3A_3 = arith.constant 0 : index
    %get3A_4 = arith.constant 0 : index
    %get3A_5 = vector.load %arg2[%get3A_2, %get3A_3, %get3A_4] : memref<12x128x64xbf16, #tpu.memory_space<vmem>>, vector<1x128x64xbf16>
    %get3A_6 = vector.shape_cast %get3A_5 : vector<1x128x64xbf16> to vector<128x64xbf16>
    %get3A_7 = arith.constant 0 : index
    %get3A_8 = arith.constant 0 : index
    %get3A_9 = arith.constant 0 : index
    %get3A_10 = vector.load %arg3[%get3A_7, %get3A_8, %get3A_9] : memref<12x768x64xbf16, #tpu.memory_space<vmem>>, vector<1x768x64xbf16>
    %get3A_11 = vector.shape_cast %get3A_10 : vector<1x768x64xbf16> to vector<768x64xbf16>
    %dot_general3A = arith.constant dense<0.000000e+00> : vector<128x768xf32>
    %dot_general3A_12 = tpu.matmul %get3A_6, %get3A_11, %dot_general3A {dimension_numbers = #tpu.dot_dimension_numbers<[1], [1], [0], [0], [0, 0, 1, 0], [], []>, transpose_lhs_hint = false} : vector<128x64xbf16>, vector<768x64xbf16>, vector<128x768xf32> -> vector<128x768xf32>
    %add3A = arith.addf %get3A_1, %dot_general3A_12 : vector<128x768xf32>
    %get3A_13 = arith.constant 1 : index
    %get3A_14 = arith.constant 0 : index
    %get3A_15 = arith.constant 0 : index
    %get3A_16 = vector.load %arg2[%get3A_13, %get3A_14, %get3A_15] : memref<12x128x64xbf16, #tpu.memory_space<vmem>>, vector<1x128x64xbf16>
    %get3A_17 = vector.shape_cast %get3A_16 : vector<1x128x64xbf16> to vector<128x64xbf16>
    %get3A_18 = arith.constant 1 : index
    %get3A_19 = arith.constant 0 : index
    %get3A_20 = arith.constant 0 : index
    %get3A_21 = vector.load %arg3[%get3A_18, %get3A_19, %get3A_20] : memref<12x768x64xbf16, #tpu.memory_space<vmem>>, vector<1x768x64xbf16>
    %get3A_22 = vector.shape_cast %get3A_21 : vector<1x768x64xbf16> to vector<768x64xbf16>
    %dot_general3A_23 = arith.constant dense<0.000000e+00> : vector<128x768xf32>
    %dot_general3A_24 = tpu.matmul %get3A_17, %get3A_22, %dot_general3A_23 {dimension_numbers = #tpu.dot_dimension_numbers<[1], [1], [0], [0], [0, 0, 1, 0], [], []>, transpose_lhs_hint = false} : vector<128x64xbf16>, vector<768x64xbf16>, vector<128x768xf32> -> vector<128x768xf32>
    %add3A_25 = arith.addf %add3A, %dot_general3A_24 : vector<128x768xf32>
    %get3A_26 = arith.constant 2 : index
    %get3A_27 = arith.constant 0 : index
    %get3A_28 = arith.constant 0 : index
    %get3A_29 = vector.load %arg2[%get3A_26, %get3A_27, %get3A_28] : memref<12x128x64xbf16, #tpu.memory_space<vmem>>, vector<1x128x64xbf16>
    %get3A_30 = vector.shape_cast %get3A_29 : vector<1x128x64xbf16> to vector<128x64xbf16>
    %get3A_31 = arith.constant 2 : index
    %get3A_32 = arith.constant 0 : index
    %get3A_33 = arith.constant 0 : index
    %get3A_34 = vector.load %arg3[%get3A_31, %get3A_32, %get3A_33] : memref<12x768x64xbf16, #tpu.memory_space<vmem>>, vector<1x768x64xbf16>
    %get3A_35 = vector.shape_cast %get3A_34 : vector<1x768x64xbf16> to vector<768x64xbf16>
    %dot_general3A_36 = arith.constant dense<0.000000e+00> : vector<128x768xf32>
    %dot_general3A_37 = tpu.matmul %get3A_30, %get3A_35, %dot_general3A_36 {dimension_numbers = #tpu.dot_dimension_numbers<[1], [1], [0], [0], [0, 0, 1, 0], [], []>, transpose_lhs_hint = false} : vector<128x64xbf16>, vector<768x64xbf16>, vector<128x768xf32> -> vector<128x768xf32>
    %add3A_38 = arith.addf %add3A_25, %dot_general3A_37 : vector<128x768xf32>
    %get3A_39 = arith.constant 3 : index
    %get3A_40 = arith.constant 0 : index
    %get3A_41 = arith.constant 0 : index
    %get3A_42 = vector.load %arg2[%get3A_39, %get3A_40, %get3A_41] : memref<12x128x64xbf16, #tpu.memory_space<vmem>>, vector<1x128x64xbf16>
    %get3A_43 = vector.shape_cast %get3A_42 : vector<1x128x64xbf16> to vector<128x64xbf16>
    %get3A_44 = arith.constant 3 : index
    %get3A_45 = arith.constant 0 : index
    %get3A_46 = arith.constant 0 : index
    %get3A_47 = vector.load %arg3[%get3A_44, %get3A_45, %get3A_46] : memref<12x768x64xbf16, #tpu.memory_space<vmem>>, vector<1x768x64xbf16>
    %get3A_48 = vector.shape_cast %get3A_47 : vector<1x768x64xbf16> to vector<768x64xbf16>
    %dot_general3A_49 = arith.constant dense<0.000000e+00> : vector<128x768xf32>
    %dot_general3A_50 = tpu.matmul %get3A_43, %get3A_48, %dot_general3A_49 {dimension_numbers = #tpu.dot_dimension_numbers<[1], [1], [0], [0], [0, 0, 1, 0], [], []>, transpose_lhs_hint = false} : vector<128x64xbf16>, vector<768x64xbf16>, vector<128x768xf32> -> vector<128x768xf32>
    %add3A_51 = arith.addf %add3A_38, %dot_general3A_50 : vector<128x768xf32>
    %get3A_52 = arith.constant 4 : index
    %get3A_53 = arith.constant 0 : index
    %get3A_54 = arith.constant 0 : index
    %get3A_55 = vector.load %arg2[%get3A_52, %get3A_53, %get3A_54] : memref<12x128x64xbf16, #tpu.memory_space<vmem>>, vector<1x128x64xbf16>
    %get3A_56 = vector.shape_cast %get3A_55 : vector<1x128x64xbf16> to vector<128x64xbf16>
    %get3A_57 = arith.constant 4 : index
    %get3A_58 = arith.constant 0 : index
    %get3A_59 = arith.constant 0 : index
    %get3A_60 = vector.load %arg3[%get3A_57, %get3A_58, %get3A_59] : memref<12x768x64xbf16, #tpu.memory_space<vmem>>, vector<1x768x64xbf16>
    %get3A_61 = vector.shape_cast %get3A_60 : vector<1x768x64xbf16> to vector<768x64xbf16>
    %dot_general3A_62 = arith.constant dense<0.000000e+00> : vector<128x768xf32>
    %dot_general3A_63 = tpu.matmul %get3A_56, %get3A_61, %dot_general3A_62 {dimension_numbers = #tpu.dot_dimension_numbers<[1], [1], [0], [0], [0, 0, 1, 0], [], []>, transpose_lhs_hint = false} : vector<128x64xbf16>, vector<768x64xbf16>, vector<128x768xf32> -> vector<128x768xf32>
    %add3A_64 = arith.addf %add3A_51, %dot_general3A_63 : vector<128x768xf32>
    %get3A_65 = arith.constant 5 : index
    %get3A_66 = arith.constant 0 : index
    %get3A_67 = arith.constant 0 : index
    %get3A_68 = vector.load %arg2[%get3A_65, %get3A_66, %get3A_67] : memref<12x128x64xbf16, #tpu.memory_space<vmem>>, vector<1x128x64xbf16>
    %get3A_69 = vector.shape_cast %get3A_68 : vector<1x128x64xbf16> to vector<128x64xbf16>
    %get3A_70 = arith.constant 5 : index
    %get3A_71 = arith.constant 0 : index
    %get3A_72 = arith.constant 0 : index
    %get3A_73 = vector.load %arg3[%get3A_70, %get3A_71, %get3A_72] : memref<12x768x64xbf16, #tpu.memory_space<vmem>>, vector<1x768x64xbf16>
    %get3A_74 = vector.shape_cast %get3A_73 : vector<1x768x64xbf16> to vector<768x64xbf16>
    %dot_general3A_75 = arith.constant dense<0.000000e+00> : vector<128x768xf32>
    %dot_general3A_76 = tpu.matmul %get3A_69, %get3A_74, %dot_general3A_75 {dimension_numbers = #tpu.dot_dimension_numbers<[1], [1], [0], [0], [0, 0, 1, 0], [], []>, transpose_lhs_hint = false} : vector<128x64xbf16>, vector<768x64xbf16>, vector<128x768xf32> -> vector<128x768xf32>
    %add3A_77 = arith.addf %add3A_64, %dot_general3A_76 : vector<128x768xf32>
    %get3A_78 = arith.constant 6 : index
    %get3A_79 = arith.constant 0 : index
    %get3A_80 = arith.constant 0 : index
    %get3A_81 = vector.load %arg2[%get3A_78, %get3A_79, %get3A_80] : memref<12x128x64xbf16, #tpu.memory_space<vmem>>, vector<1x128x64xbf16>
    %get3A_82 = vector.shape_cast %get3A_81 : vector<1x128x64xbf16> to vector<128x64xbf16>
    %get3A_83 = arith.constant 6 : index
    %get3A_84 = arith.constant 0 : index
    %get3A_85 = arith.constant 0 : index
    %get3A_86 = vector.load %arg3[%get3A_83, %get3A_84, %get3A_85] : memref<12x768x64xbf16, #tpu.memory_space<vmem>>, vector<1x768x64xbf16>
    %get3A_87 = vector.shape_cast %get3A_86 : vector<1x768x64xbf16> to vector<768x64xbf16>
    %dot_general3A_88 = arith.constant dense<0.000000e+00> : vector<128x768xf32>
    %dot_general3A_89 = tpu.matmul %get3A_82, %get3A_87, %dot_general3A_88 {dimension_numbers = #tpu.dot_dimension_numbers<[1], [1], [0], [0], [0, 0, 1, 0], [], []>, transpose_lhs_hint = false} : vector<128x64xbf16>, vector<768x64xbf16>, vector<128x768xf32> -> vector<128x768xf32>
    %add3A_90 = arith.addf %add3A_77, %dot_general3A_89 : vector<128x768xf32>
    %get3A_91 = arith.constant 7 : index
    %get3A_92 = arith.constant 0 : index
    %get3A_93 = arith.constant 0 : index
    %get3A_94 = vector.load %arg2[%get3A_91, %get3A_92, %get3A_93] : memref<12x128x64xbf16, #tpu.memory_space<vmem>>, vector<1x128x64xbf16>
    %get3A_95 = vector.shape_cast %get3A_94 : vector<1x128x64xbf16> to vector<128x64xbf16>
    %get3A_96 = arith.constant 7 : index
    %get3A_97 = arith.constant 0 : index
    %get3A_98 = arith.constant 0 : index
    %get3A_99 = vector.load %arg3[%get3A_96, %get3A_97, %get3A_98] : memref<12x768x64xbf16, #tpu.memory_space<vmem>>, vector<1x768x64xbf16>
    %get3A_100 = vector.shape_cast %get3A_99 : vector<1x768x64xbf16> to vector<768x64xbf16>
    %dot_general3A_101 = arith.constant dense<0.000000e+00> : vector<128x768xf32>
    %dot_general3A_102 = tpu.matmul %get3A_95, %get3A_100, %dot_general3A_101 {dimension_numbers = #tpu.dot_dimension_numbers<[1], [1], [0], [0], [0, 0, 1, 0], [], []>, transpose_lhs_hint = false} : vector<128x64xbf16>, vector<768x64xbf16>, vector<128x768xf32> -> vector<128x768xf32>
    %add3A_103 = arith.addf %add3A_90, %dot_general3A_102 : vector<128x768xf32>
    %get3A_104 = arith.constant 8 : index
    %get3A_105 = arith.constant 0 : index
    %get3A_106 = arith.constant 0 : index
    %get3A_107 = vector.load %arg2[%get3A_104, %get3A_105, %get3A_106] : memref<12x128x64xbf16, #tpu.memory_space<vmem>>, vector<1x128x64xbf16>
    %get3A_108 = vector.shape_cast %get3A_107 : vector<1x128x64xbf16> to vector<128x64xbf16>
    %get3A_109 = arith.constant 8 : index
    %get3A_110 = arith.constant 0 : index
    %get3A_111 = arith.constant 0 : index
    %get3A_112 = vector.load %arg3[%get3A_109, %get3A_110, %get3A_111] : memref<12x768x64xbf16, #tpu.memory_space<vmem>>, vector<1x768x64xbf16>
    %get3A_113 = vector.shape_cast %get3A_112 : vector<1x768x64xbf16> to vector<768x64xbf16>
    %dot_general3A_114 = arith.constant dense<0.000000e+00> : vector<128x768xf32>
    %dot_general3A_115 = tpu.matmul %get3A_108, %get3A_113, %dot_general3A_114 {dimension_numbers = #tpu.dot_dimension_numbers<[1], [1], [0], [0], [0, 0, 1, 0], [], []>, transpose_lhs_hint = false} : vector<128x64xbf16>, vector<768x64xbf16>, vector<128x768xf32> -> vector<128x768xf32>
    %add3A_116 = arith.addf %add3A_103, %dot_general3A_115 : vector<128x768xf32>
    %get3A_117 = arith.constant 9 : index
    %get3A_118 = arith.constant 0 : index
    %get3A_119 = arith.constant 0 : index
    %get3A_120 = vector.load %arg2[%get3A_117, %get3A_118, %get3A_119] : memref<12x128x64xbf16, #tpu.memory_space<vmem>>, vector<1x128x64xbf16>
    %get3A_121 = vector.shape_cast %get3A_120 : vector<1x128x64xbf16> to vector<128x64xbf16>
    %get3A_122 = arith.constant 9 : index
    %get3A_123 = arith.constant 0 : index
    %get3A_124 = arith.constant 0 : index
    %get3A_125 = vector.load %arg3[%get3A_122, %get3A_123, %get3A_124] : memref<12x768x64xbf16, #tpu.memory_space<vmem>>, vector<1x768x64xbf16>
    %get3A_126 = vector.shape_cast %get3A_125 : vector<1x768x64xbf16> to vector<768x64xbf16>
    %dot_general3A_127 = arith.constant dense<0.000000e+00> : vector<128x768xf32>
    %dot_general3A_128 = tpu.matmul %get3A_121, %get3A_126, %dot_general3A_127 {dimension_numbers = #tpu.dot_dimension_numbers<[1], [1], [0], [0], [0, 0, 1, 0], [], []>, transpose_lhs_hint = false} : vector<128x64xbf16>, vector<768x64xbf16>, vector<128x768xf32> -> vector<128x768xf32>
    %add3A_129 = arith.addf %add3A_116, %dot_general3A_128 : vector<128x768xf32>
    %get3A_130 = arith.constant 10 : index
    %get3A_131 = arith.constant 0 : index
    %get3A_132 = arith.constant 0 : index
    %get3A_133 = vector.load %arg2[%get3A_130, %get3A_131, %get3A_132] : memref<12x128x64xbf16, #tpu.memory_space<vmem>>, vector<1x128x64xbf16>
    %get3A_134 = vector.shape_cast %get3A_133 : vector<1x128x64xbf16> to vector<128x64xbf16>
    %get3A_135 = arith.constant 10 : index
    %get3A_136 = arith.constant 0 : index
    %get3A_137 = arith.constant 0 : index
    %get3A_138 = vector.load %arg3[%get3A_135, %get3A_136, %get3A_137] : memref<12x768x64xbf16, #tpu.memory_space<vmem>>, vector<1x768x64xbf16>
    %get3A_139 = vector.shape_cast %get3A_138 : vector<1x768x64xbf16> to vector<768x64xbf16>
    %dot_general3A_140 = arith.constant dense<0.000000e+00> : vector<128x768xf32>
    %dot_general3A_141 = tpu.matmul %get3A_134, %get3A_139, %dot_general3A_140 {dimension_numbers = #tpu.dot_dimension_numbers<[1], [1], [0], [0], [0, 0, 1, 0], [], []>, transpose_lhs_hint = false} : vector<128x64xbf16>, vector<768x64xbf16>, vector<128x768xf32> -> vector<128x768xf32>
    %add3A_142 = arith.addf %add3A_129, %dot_general3A_141 : vector<128x768xf32>
    %get3A_143 = arith.constant 11 : index
    %get3A_144 = arith.constant 0 : index
    %get3A_145 = arith.constant 0 : index
    %get3A_146 = vector.load %arg2[%get3A_143, %get3A_144, %get3A_145] : memref<12x128x64xbf16, #tpu.memory_space<vmem>>, vector<1x128x64xbf16>
    %get3A_147 = vector.shape_cast %get3A_146 : vector<1x128x64xbf16> to vector<128x64xbf16>
    %get3A_148 = arith.constant 11 : index
    %get3A_149 = arith.constant 0 : index
    %get3A_150 = arith.constant 0 : index
    %get3A_151 = vector.load %arg3[%get3A_148, %get3A_149, %get3A_150] : memref<12x768x64xbf16, #tpu.memory_space<vmem>>, vector<1x768x64xbf16>
    %get3A_152 = vector.shape_cast %get3A_151 : vector<1x768x64xbf16> to vector<768x64xbf16>
    %dot_general3A_153 = arith.constant dense<0.000000e+00> : vector<128x768xf32>
    %dot_general3A_154 = tpu.matmul %get3A_147, %get3A_152, %dot_general3A_153 {dimension_numbers = #tpu.dot_dimension_numbers<[1], [1], [0], [0], [0, 0, 1, 0], [], []>, transpose_lhs_hint = false} : vector<128x64xbf16>, vector<768x64xbf16>, vector<128x768xf32> -> vector<128x768xf32>
    %add3A_155 = arith.addf %add3A_142, %dot_general3A_154 : vector<128x768xf32>
    %swap3A = arith.constant 0 : index
    %swap3A_156 = arith.constant 0 : index
    %swap3A_157 = vector.load %arg7[%swap3A, %swap3A_156] : memref<128x768xf32, #tpu.memory_space<vmem>>, vector<128x768xf32>
    tpu.vector_store %arg7[%swap3A, %swap3A_156], %add3A_155 {strides = array<i32>} : memref<128x768xf32, #tpu.memory_space<vmem>>, vector<128x768xf32>,
    %reduce_sum3A = arith.constant dense<0.000000e+00> : vector<128xf32>
    %reduce_sum3A_158 = vector.multi_reduction <add>, %add3A_155, %reduce_sum3A [1] : vector<128x768xf32> to vector<128xf32>
    %broadcast_in_dim3A = vector.shape_cast %reduce_sum3A_158 : vector<128xf32> to vector<128x1xf32>
    %div3A = arith.constant 7.680000e+02 : f32
    %div3A_159 = vector.broadcast %div3A : f32 to vector<128x1xf32>
    %div3A_160 = arith.divf %broadcast_in_dim3A, %div3A_159 : vector<128x1xf32>
    %sub3A = vector.broadcast %div3A_160 : vector<128x1xf32> to vector<128x768xf32>
    %sub3A_161 = arith.subf %add3A_155, %sub3A : vector<128x768xf32>
    %mul3A = arith.mulf %sub3A_161, %sub3A_161 : vector<128x768xf32>
    %reduce_sum3A_162 = arith.constant dense<0.000000e+00> : vector<128xf32>
    %reduce_sum3A_163 = vector.multi_reduction <add>, %mul3A, %reduce_sum3A_162 [1] : vector<128x768xf32> to vector<128xf32>
    %broadcast_in_dim3A_164 = vector.shape_cast %reduce_sum3A_163 : vector<128xf32> to vector<128x1xf32>
    %div3A_165 = arith.constant 7.680000e+02 : f32
    %div3A_166 = vector.broadcast %div3A_165 : f32 to vector<128x1xf32>
    %div3A_167 = arith.divf %broadcast_in_dim3A_164, %div3A_166 : vector<128x1xf32>
    %add3A_168 = arith.constant 9.99999974E-6 : f32
    %add3A_169 = vector.broadcast %add3A_168 : f32 to vector<128x1xf32>
    %add3A_170 = arith.addf %div3A_167, %add3A_169 : vector<128x1xf32>
    %sqrt3A = math.sqrt %add3A_170 : vector<128x1xf32>
    %div3A_171 = vector.broadcast %sqrt3A : vector<128x1xf32> to vector<128x768xf32>
    %div3A_172 = arith.divf %sub3A_161, %div3A_171 : vector<128x768xf32>
    %get3A_173 = arith.constant 0 : index
    %get3A_174 = arith.constant 0 : index
    %get3A_175 = vector.load %arg4[%get3A_173, %get3A_174] : memref<1x768xf32, #tpu.memory_space<vmem>>, vector<1x768xf32>
    %mul3A_176 = vector.broadcast %get3A_175 : vector<1x768xf32> to vector<128x768xf32>
    %mul3A_177 = arith.mulf %div3A_172, %mul3A_176 : vector<128x768xf32>
    %get3A_178 = arith.constant 0 : index
    %get3A_179 = arith.constant 0 : index
    %get3A_180 = vector.load %arg5[%get3A_178, %get3A_179] : memref<1x768xf32, #tpu.memory_space<vmem>>, vector<1x768xf32>
    %add3A_181 = vector.broadcast %get3A_180 : vector<1x768xf32> to vector<128x768xf32>
    %add3A_182 = arith.addf %mul3A_177, %add3A_181 : vector<128x768xf32>
    %convert_element_type3A = arith.truncf %add3A_182 : vector<128x768xf32> to vector<128x768xbf16>
    %swap3A_183 = arith.constant 0 : index
    %swap3A_184 = arith.constant 0 : index
    %swap3A_185 = vector.load %arg8[%swap3A_183, %swap3A_184] : memref<128x768xbf16, #tpu.memory_space<vmem>>, vector<128x768xbf16>
    tpu.vector_store %arg8[%swap3A_183, %swap3A_184], %convert_element_type3A {strides = array<i32>} : memref<128x768xbf16, #tpu.memory_space<vmem>>, vector<128x768xbf16>,
    %get3A_186 = arith.constant 0 : index
    %get3A_187 = arith.constant 0 : index
    %get3A_188 = vector.load %arg6[%get3A_186, %get3A_187] : memref<128x768xbf16, #tpu.memory_space<vmem>>, vector<128x768xbf16>
    %dot_general3A_189 = arith.constant dense<0.000000e+00> : vector<128x128xf32>
    %dot_general3A_190 = tpu.matmul %convert_element_type3A, %get3A_188, %dot_general3A_189 {dimension_numbers = #tpu.dot_dimension_numbers<[1], [1], [0], [0], [0, 0, 1, 0], [], []>, transpose_lhs_hint = false} : vector<128x768xbf16>, vector<128x768xbf16>, vector<128x128xf32> -> vector<128x128xf32>
    %swap3A_191 = arith.constant 0 : index
    %swap3A_192 = arith.constant 0 : index
    %swap3A_193 = vector.load %arg9[%swap3A_191, %swap3A_192] : memref<128x128xf32, #tpu.memory_space<vmem>>, vector<128x128xf32>
    tpu.vector_store %arg9[%swap3A_191, %swap3A_192], %dot_general3A_190 {strides = array<i32>} : memref<128x128xf32, #tpu.memory_space<vmem>>, vector<128x128xf32>,
    %iota3A = tpu.iota {dimensions = array<i32: 1>} : vector<128x128xi32>
    %lt3A = arith.constant 8 : i32
    %lt3A_194 = vector.broadcast %lt3A : i32 to vector<128x128xi32>
    %lt3A_195 = arith.cmpi slt, %iota3A, %lt3A_194 : vector<128x128xi32>
    %jit3A = arith.constant -1.000000e+30 : f32
    %broadcast_in_dim3A_196 = vector.broadcast %jit3A : f32 to vector<128x128xf32>
    %select_n3A = arith.select %lt3A_195, %dot_general3A_190, %broadcast_in_dim3A_196 : vector<128x128xi1>, vector<128x128xf32>
    %reduce_max3A = arith.constant dense<0xFF800000> : vector<128xf32>
    %reduce_max3A_197 = vector.multi_reduction <maximumf>, %select_n3A, %reduce_max3A [1] : vector<128x128xf32> to vector<128xf32>
    %broadcast_in_dim3A_198 = vector.shape_cast %reduce_max3A_197 : vector<128xf32> to vector<128x1xf32>
    %sub3A_199 = vector.broadcast %broadcast_in_dim3A_198 : vector<128x1xf32> to vector<128x128xf32>
    %sub3A_200 = arith.subf %select_n3A, %sub3A_199 : vector<128x128xf32>
    %exp3A = math.exp %sub3A_200 : vector<128x128xf32>
    %reduce_sum3A_201 = arith.constant dense<0.000000e+00> : vector<128xf32>
    %reduce_sum3A_202 = vector.multi_reduction <add>, %exp3A, %reduce_sum3A_201 [1] : vector<128x128xf32> to vector<128xf32>
    %broadcast_in_dim3A_203 = vector.shape_cast %reduce_sum3A_202 : vector<128xf32> to vector<128x1xf32>
    %div3A_204 = vector.broadcast %broadcast_in_dim3A_203 : vector<128x1xf32> to vector<128x128xf32>
    %div3A_205 = arith.divf %exp3A, %div3A_204 : vector<128x128xf32>
    %reduce_sum3A_206 = arith.constant dense<0.000000e+00> : vector<128xf32>
    %reduce_sum3A_207 = vector.multi_reduction <add>, %div3A_205, %reduce_sum3A_206 [0] : vector<128x128xf32> to vector<128xf32>
    %broadcast_in_dim3A_208 = vector.shape_cast %reduce_sum3A_207 : vector<128xf32> to vector<1x128xf32>
    %eq3A = arith.constant 0 : i32
    %eq3A_209 = arith.cmpi eq, %arg0, %eq3A : i32
    %convert_element_type3A_210 = arith.extui %eq3A_209 : i1 to i32
    %cond3A = arith.constant 0 : i32
    %cond3A_211 = arith.cmpi ne, %convert_element_type3A_210, %cond3A : i32
    scf.if %cond3A_211 {
      %broadcast_in_dim3A_219 = arith.constant 0.000000e+00 : f32
      %broadcast_in_dim3A_220 = vector.broadcast %broadcast_in_dim3A_219 : f32 to vector<1x128xf32>
      %swap3A_221 = arith.constant 0 : index
      %swap3A_222 = arith.constant 0 : index
      %swap3A_223 = vector.load %arg10[%swap3A_221, %swap3A_222] : memref<1x128xf32, #tpu.memory_space<vmem>>, vector<1x128xf32>
      tpu.vector_store %arg10[%swap3A_221, %swap3A_222], %broadcast_in_dim3A_220 {strides = array<i32>} : memref<1x128xf32, #tpu.memory_space<vmem>>, vector<1x128xf32>,
    } else {
    }
    %get3A_212 = arith.constant 0 : index
    %get3A_213 = arith.constant 0 : index
    %get3A_214 = vector.load %arg10[%get3A_212, %get3A_213] : memref<1x128xf32, #tpu.memory_space<vmem>>, vector<1x128xf32>
    %add3A_215 = arith.addf %get3A_214, %broadcast_in_dim3A_208 : vector<1x128xf32>
    %swap3A_216 = arith.constant 0 : index
    %swap3A_217 = arith.constant 0 : index
    %swap3A_218 = vector.load %arg10[%swap3A_216, %swap3A_217] : memref<1x128xf32, #tpu.memory_space<vmem>>, vector<1x128xf32>
    tpu.vector_store %arg10[%swap3A_216, %swap3A_217], %add3A_215 {strides = array<i32>} : memref<1x128xf32, #tpu.memory_space<vmem>>, vector<1x128xf32>,
    return
  }
  func.func @transform_0(%arg0: i32) -> (i32, i32) {
    %c0_i32 = arith.constant 0 : i32
    %c0_i32_0 = arith.constant 0 : i32
    return %arg0, %c0_i32 : i32, i32
  }
  func.func @transform_1(%arg0: i32) -> (i32, i32, i32) {
    %c0_i32 = arith.constant 0 : i32
    %c0_i32_0 = arith.constant 0 : i32
    %c0_i32_1 = arith.constant 0 : i32
    return %c0_i32, %arg0, %c0_i32_0 : i32, i32, i32
  }
  func.func @transform_2(%arg0: i32) -> (i32, i32, i32) {
    %c0_i32 = arith.constant 0 : i32
    %c0_i32_0 = arith.constant 0 : i32
    %c0_i32_1 = arith.constant 0 : i32
    %c0_i32_2 = arith.constant 0 : i32
    return %c0_i32, %c0_i32_0, %c0_i32_1 : i32, i32, i32
  }
  func.func @transform_3(%arg0: i32) -> (i32, i32) {
    %c0_i32 = arith.constant 0 : i32
    %c0_i32_0 = arith.constant 0 : i32
    %c0_i32_1 = arith.constant 0 : i32
    return %c0_i32, %c0_i32_0 : i32, i32
  }
  func.func @transform_4(%arg0: i32) -> (i32, i32) {
    %c0_i32 = arith.constant 0 : i32
    %c0_i32_0 = arith.constant 0 : i32
    %c0_i32_1 = arith.constant 0 : i32
    return %c0_i32, %c0_i32_0 : i32, i32
  }
  func.func @transform_5(%arg0: i32) -> (i32, i32) {
    %c0_i32 = arith.constant 0 : i32
    %c0_i32_0 = arith.constant 0 : i32
    %c0_i32_1 = arith.constant 0 : i32
    return %c0_i32, %c0_i32_0 : i32, i32
  }
  func.func @transform_6(%arg0: i32) -> (i32, i32) {
    %c0_i32 = arith.constant 0 : i32
    %c0_i32_0 = arith.constant 0 : i32
    return %arg0, %c0_i32 : i32, i32
  }
  func.func @transform_7(%arg0: i32) -> (i32, i32) {
    %c0_i32 = arith.constant 0 : i32
    %c0_i32_0 = arith.constant 0 : i32
    return %arg0, %c0_i32 : i32, i32
  }
  func.func @transform_8(%arg0: i32) -> (i32, i32) {
    %c0_i32 = arith.constant 0 : i32
    %c0_i32_0 = arith.constant 0 : i32
    return %arg0, %c0_i32 : i32, i32
  }
  func.func @transform_9(%arg0: i32) -> (i32, i32) {
    %c0_i32 = arith.constant 0 : i32
    %c0_i32_0 = arith.constant 0 : i32
    %c0_i32_1 = arith.constant 0 : i32
    return %c0_i32, %c0_i32_0 : i32, i32
  }
}

module attributes {stable_mosaic.version = 14 : i64} {
  func.func @_ffn_body(%arg0: i32, %arg1: memref<16xi32, #tpu.memory_space<smem>>, %arg2: memref<16xi32, #tpu.memory_space<smem>>, %arg3: memref<2x1024xi32, #tpu.memory_space<vmem>>, %arg4: memref<2x1024xf32, #tpu.memory_space<vmem>>, %arg5: memref<1024x768xbf16, #tpu.memory_space<vmem>>, %arg6: memref<1x1280x768xf32, #tpu.memory_space<vmem>>, %arg7: memref<1x1280x768xf32, #tpu.memory_space<vmem>>, %arg8: memref<1x768x1280xf32, #tpu.memory_space<vmem>>, %arg9: memref<256x768xf32, #tpu.memory_space<vmem>>, %arg10: memref<1280x768xbf16, #tpu.memory_space<vmem>>, %arg11: memref<1280x768xbf16, #tpu.memory_space<vmem>>, %arg12: memref<768x1280xbf16, #tpu.memory_space<vmem>>) attributes {dimension_semantics = [#tpu.dimension_semantics<arbitrary>], iteration_bounds = array<i64: 16>, scalar_prefetch = 2 : i64, scratch_operands = 3 : i64, tpu.core_type = #tpu.core_type<tc>, window_params = [{pipeline_mode = #tpu.pipeline_mode<synchronous>, transform_indices = @transform_0, window_bounds = array<i64: 2, 1024>}, {pipeline_mode = #tpu.pipeline_mode<synchronous>, transform_indices = @transform_1, window_bounds = array<i64: 2, 1024>}, {pipeline_mode = #tpu.pipeline_mode<synchronous>, transform_indices = @transform_2, window_bounds = array<i64: 1024, 768>}, {transform_indices = @transform_3, window_bounds = array<i64: 1, 1280, 768>}, {transform_indices = @transform_4, window_bounds = array<i64: 1, 1280, 768>}, {transform_indices = @transform_5, window_bounds = array<i64: 1, 768, 1280>}, {transform_indices = @transform_6, window_bounds = array<i64: 256, 768>}]} {
    %get3A = arith.index_cast %arg0 : i32 to index
    %get3A_0 = memref.load %arg1[%get3A] : memref<16xi32, #tpu.memory_space<smem>>
    %sub3A = arith.constant 1 : i32
    %sub3A_1 = arith.subi %arg0, %sub3A : i32
    %max3A = arith.constant 0 : i32
    %max3A_2 = arith.maxsi %sub3A_1, %max3A : i32
    %get3A_3 = arith.index_cast %max3A_2 : i32 to index
    %get3A_4 = memref.load %arg1[%get3A_3] : memref<16xi32, #tpu.memory_space<smem>>
    %get3A_5 = arith.index_cast %arg0 : i32 to index
    %get3A_6 = memref.load %arg2[%get3A_5] : memref<16xi32, #tpu.memory_space<smem>>
    %eq3A = arith.constant 0 : i32
    %eq3A_7 = arith.cmpi eq, %arg0, %eq3A : i32
    %ne3A = arith.cmpi ne, %get3A_0, %get3A_4 : i32
    %or3A = arith.ori %eq3A_7, %ne3A : i1
    %ne3A_8 = arith.constant 0 : i32
    %ne3A_9 = arith.cmpi ne, %get3A_6, %ne3A_8 : i32
    %and3A = arith.andi %or3A, %ne3A_9 : i1
    %convert_element_type3A = arith.extui %and3A : i1 to i32
    %cond3A = arith.constant 0 : i32
    %cond3A_10 = arith.cmpi ne, %convert_element_type3A, %cond3A : i32
    scf.if %cond3A_10 {
      %get3A_21 = arith.constant 0 : index
      %get3A_22 = arith.constant 0 : index
      %get3A_23 = arith.constant 0 : index
      %get3A_24 = vector.load %arg6[%get3A_21, %get3A_22, %get3A_23] : memref<1x1280x768xf32, #tpu.memory_space<vmem>>, vector<1x1280x768xf32>
      %get3A_25 = vector.shape_cast %get3A_24 : vector<1x1280x768xf32> to vector<1280x768xf32>
      %convert_element_type3A_26 = arith.truncf %get3A_25 : vector<1280x768xf32> to vector<1280x768xbf16>
      %swap3A = arith.constant 0 : index
      %swap3A_27 = arith.constant 0 : index
      %swap3A_28 = vector.load %arg10[%swap3A, %swap3A_27] : memref<1280x768xbf16, #tpu.memory_space<vmem>>, vector<1280x768xbf16>
      tpu.vector_store %arg10[%swap3A, %swap3A_27], %convert_element_type3A_26 {strides = array<i32>} : memref<1280x768xbf16, #tpu.memory_space<vmem>>, vector<1280x768xbf16>,
      %get3A_29 = arith.constant 0 : index
      %get3A_30 = arith.constant 0 : index
      %get3A_31 = arith.constant 0 : index
      %get3A_32 = vector.load %arg7[%get3A_29, %get3A_30, %get3A_31] : memref<1x1280x768xf32, #tpu.memory_space<vmem>>, vector<1x1280x768xf32>
      %get3A_33 = vector.shape_cast %get3A_32 : vector<1x1280x768xf32> to vector<1280x768xf32>
      %convert_element_type3A_34 = arith.truncf %get3A_33 : vector<1280x768xf32> to vector<1280x768xbf16>
      %swap3A_35 = arith.constant 0 : index
      %swap3A_36 = arith.constant 0 : index
      %swap3A_37 = vector.load %arg11[%swap3A_35, %swap3A_36] : memref<1280x768xbf16, #tpu.memory_space<vmem>>, vector<1280x768xbf16>
      tpu.vector_store %arg11[%swap3A_35, %swap3A_36], %convert_element_type3A_34 {strides = array<i32>} : memref<1280x768xbf16, #tpu.memory_space<vmem>>, vector<1280x768xbf16>,
      %get3A_38 = arith.constant 0 : index
      %get3A_39 = arith.constant 0 : index
      %get3A_40 = arith.constant 0 : index
      %get3A_41 = vector.load %arg8[%get3A_38, %get3A_39, %get3A_40] : memref<1x768x1280xf32, #tpu.memory_space<vmem>>, vector<1x768x1280xf32>
      %get3A_42 = vector.shape_cast %get3A_41 : vector<1x768x1280xf32> to vector<768x1280xf32>
      %convert_element_type3A_43 = arith.truncf %get3A_42 : vector<768x1280xf32> to vector<768x1280xbf16>
      %swap3A_44 = arith.constant 0 : index
      %swap3A_45 = arith.constant 0 : index
      %swap3A_46 = vector.load %arg12[%swap3A_44, %swap3A_45] : memref<768x1280xbf16, #tpu.memory_space<vmem>>, vector<768x1280xbf16>
      tpu.vector_store %arg12[%swap3A_44, %swap3A_45], %convert_element_type3A_43 {strides = array<i32>} : memref<768x1280xbf16, #tpu.memory_space<vmem>>, vector<768x1280xbf16>,
    } else {
    }
    %ne3A_11 = arith.constant 0 : i32
    %ne3A_12 = arith.cmpi ne, %get3A_6, %ne3A_11 : i32
    %convert_element_type3A_13 = arith.extui %ne3A_12 : i1 to i32
    %cond3A_14 = arith.constant 0 : i32
    %cond3A_15 = arith.cmpi ne, %convert_element_type3A_13, %cond3A_14 : i32
    scf.if %cond3A_15 {
      %mul3A = arith.constant 256 : i32
      %mul3A_21 = arith.muli %arg0, %mul3A : i32
      %iota3A = tpu.iota {dimensions = array<i32: 0>} : vector<256x1xi32>
      %add3A = vector.broadcast %mul3A_21 : i32 to vector<256x1xi32>
      %add3A_22 = arith.addi %add3A, %iota3A : vector<256x1xi32>
      %get3A_23 = arith.constant 0 : index
      %get3A_24 = arith.constant 0 : index
      %get3A_25 = vector.load %arg3[%get3A_23, %get3A_24] : memref<2x1024xi32, #tpu.memory_space<vmem>>, vector<1x1024xi32>
      %get3A_26 = vector.shape_cast %get3A_25 : vector<1x1024xi32> to vector<1024xi32>
      %get3A_27 = arith.constant 1 : index
      %get3A_28 = arith.constant 0 : index
      %get3A_29 = vector.load %arg3[%get3A_27, %get3A_28] : memref<2x1024xi32, #tpu.memory_space<vmem>>, vector<1x1024xi32>
      %get3A_30 = vector.shape_cast %get3A_29 : vector<1x1024xi32> to vector<1024xi32>
      %broadcast_in_dim3A = vector.shape_cast %get3A_26 : vector<1024xi32> to vector<1x1024xi32>
      %eq3A_31 = vector.broadcast %broadcast_in_dim3A : vector<1x1024xi32> to vector<256x1024xi32>
      %eq3A_32 = vector.broadcast %add3A_22 : vector<256x1xi32> to vector<256x1024xi32>
      %eq3A_33 = arith.cmpi eq, %eq3A_31, %eq3A_32 : vector<256x1024xi32>
      %convert_element_type3A_34 = arith.extui %eq3A_33 : vector<256x1024xi1> to vector<256x1024xi32>
      %convert_element_type3A_35 = arith.sitofp %convert_element_type3A_34 : vector<256x1024xi32> to vector<256x1024xf32>
      %broadcast_in_dim3A_36 = vector.shape_cast %get3A_30 : vector<1024xi32> to vector<1x1024xi32>
      %eq3A_37 = vector.broadcast %broadcast_in_dim3A_36 : vector<1x1024xi32> to vector<256x1024xi32>
      %eq3A_38 = vector.broadcast %add3A_22 : vector<256x1xi32> to vector<256x1024xi32>
      %eq3A_39 = arith.cmpi eq, %eq3A_37, %eq3A_38 : vector<256x1024xi32>
      %convert_element_type3A_40 = arith.extui %eq3A_39 : vector<256x1024xi1> to vector<256x1024xi32>
      %convert_element_type3A_41 = arith.sitofp %convert_element_type3A_40 : vector<256x1024xi32> to vector<256x1024xf32>
      %add3A_42 = arith.addf %convert_element_type3A_35, %convert_element_type3A_41 : vector<256x1024xf32>
      %convert_element_type3A_43 = arith.truncf %add3A_42 : vector<256x1024xf32> to vector<256x1024xbf16>
      %get3A_44 = arith.constant 0 : index
      %get3A_45 = arith.constant 0 : index
      %get3A_46 = vector.load %arg5[%get3A_44, %get3A_45] : memref<1024x768xbf16, #tpu.memory_space<vmem>>, vector<1024x768xbf16>
      %dot_general3A = arith.constant dense<0.000000e+00> : vector<256x768xf32>
      %dot_general3A_47 = tpu.matmul %convert_element_type3A_43, %get3A_46, %dot_general3A {dimension_numbers = #tpu.dot_dimension_numbers<[1], [0], [0], [1], [0, 0, 1, 1], [], []>, transpose_lhs_hint = false} : vector<256x1024xbf16>, vector<1024x768xbf16>, vector<256x768xf32> -> vector<256x768xf32>
      %convert_element_type3A_48 = arith.truncf %dot_general3A_47 : vector<256x768xf32> to vector<256x768xbf16>
      %get3A_49 = arith.constant 0 : index
      %get3A_50 = arith.constant 0 : index
      %get3A_51 = vector.load %arg4[%get3A_49, %get3A_50] : memref<2x1024xf32, #tpu.memory_space<vmem>>, vector<1x1024xf32>
      %get3A_52 = vector.shape_cast %get3A_51 : vector<1x1024xf32> to vector<1024xf32>
      %dot_general3A_53 = arith.constant dense<0.000000e+00> : vector<256xf32>
      %dot_general3A_54 = tpu.matmul %convert_element_type3A_35, %get3A_52, %dot_general3A_53 {dimension_numbers = #tpu.dot_dimension_numbers<[1], [0], [0], [], [0, 0], [], []>, transpose_lhs_hint = false} : vector<256x1024xf32>, vector<1024xf32>, vector<256xf32> -> vector<256xf32>
      %get3A_55 = arith.constant 1 : index
      %get3A_56 = arith.constant 0 : index
      %get3A_57 = vector.load %arg4[%get3A_55, %get3A_56] : memref<2x1024xf32, #tpu.memory_space<vmem>>, vector<1x1024xf32>
      %get3A_58 = vector.shape_cast %get3A_57 : vector<1x1024xf32> to vector<1024xf32>
      %dot_general3A_59 = arith.constant dense<0.000000e+00> : vector<256xf32>
      %dot_general3A_60 = tpu.matmul %convert_element_type3A_41, %get3A_58, %dot_general3A_59 {dimension_numbers = #tpu.dot_dimension_numbers<[1], [0], [0], [], [0, 0], [], []>, transpose_lhs_hint = false} : vector<256x1024xf32>, vector<1024xf32>, vector<256xf32> -> vector<256xf32>
      %add3A_61 = arith.addf %dot_general3A_54, %dot_general3A_60 : vector<256xf32>
      %get3A_62 = arith.constant 0 : index
      %get3A_63 = arith.constant 0 : index
      %get3A_64 = vector.load %arg10[%get3A_62, %get3A_63] : memref<1280x768xbf16, #tpu.memory_space<vmem>>, vector<1280x768xbf16>
      %dot_general3A_65 = arith.constant dense<0.000000e+00> : vector<256x1280xf32>
      %dot_general3A_66 = tpu.matmul %convert_element_type3A_48, %get3A_64, %dot_general3A_65 {dimension_numbers = #tpu.dot_dimension_numbers<[1], [1], [0], [0], [0, 0, 1, 0], [], []>, transpose_lhs_hint = false} : vector<256x768xbf16>, vector<1280x768xbf16>, vector<256x1280xf32> -> vector<256x1280xf32>
      %get3A_67 = arith.constant 0 : index
      %get3A_68 = arith.constant 0 : index
      %get3A_69 = vector.load %arg11[%get3A_67, %get3A_68] : memref<1280x768xbf16, #tpu.memory_space<vmem>>, vector<1280x768xbf16>
      %dot_general3A_70 = arith.constant dense<0.000000e+00> : vector<256x1280xf32>
      %dot_general3A_71 = tpu.matmul %convert_element_type3A_48, %get3A_69, %dot_general3A_70 {dimension_numbers = #tpu.dot_dimension_numbers<[1], [1], [0], [0], [0, 0, 1, 0], [], []>, transpose_lhs_hint = false} : vector<256x768xbf16>, vector<1280x768xbf16>, vector<256x1280xf32> -> vector<256x1280xf32>
      %logistic3A = arith.negf %dot_general3A_66 : vector<256x1280xf32>
      %logistic3A_72 = math.exp %logistic3A : vector<256x1280xf32>
      %logistic3A_73 = arith.constant 1.000000e+00 : f32
      %logistic3A_74 = vector.broadcast %logistic3A_73 : f32 to vector<256x1280xf32>
      %logistic3A_75 = arith.addf %logistic3A_74, %logistic3A_72 : vector<256x1280xf32>
      %logistic3A_76 = arith.divf %logistic3A_74, %logistic3A_75 : vector<256x1280xf32>
      %mul3A_77 = arith.mulf %dot_general3A_66, %logistic3A_76 : vector<256x1280xf32>
      %mul3A_78 = arith.mulf %mul3A_77, %dot_general3A_71 : vector<256x1280xf32>
      %convert_element_type3A_79 = arith.truncf %mul3A_78 : vector<256x1280xf32> to vector<256x1280xbf16>
      %get3A_80 = arith.constant 0 : index
      %get3A_81 = arith.constant 0 : index
      %get3A_82 = vector.load %arg12[%get3A_80, %get3A_81] : memref<768x1280xbf16, #tpu.memory_space<vmem>>, vector<768x1280xbf16>
      %dot_general3A_83 = arith.constant dense<0.000000e+00> : vector<256x768xf32>
      %dot_general3A_84 = tpu.matmul %convert_element_type3A_79, %get3A_82, %dot_general3A_83 {dimension_numbers = #tpu.dot_dimension_numbers<[1], [1], [0], [0], [0, 0, 1, 0], [], []>, transpose_lhs_hint = false} : vector<256x1280xbf16>, vector<768x1280xbf16>, vector<256x768xf32> -> vector<256x768xf32>
      %broadcast_in_dim3A_85 = vector.shape_cast %add3A_61 : vector<256xf32> to vector<256x1xf32>
      %mul3A_86 = vector.broadcast %broadcast_in_dim3A_85 : vector<256x1xf32> to vector<256x768xf32>
      %mul3A_87 = arith.mulf %dot_general3A_84, %mul3A_86 : vector<256x768xf32>
      %swap3A = arith.constant 0 : index
      %swap3A_88 = arith.constant 0 : index
      %swap3A_89 = vector.load %arg9[%swap3A, %swap3A_88] : memref<256x768xf32, #tpu.memory_space<vmem>>, vector<256x768xf32>
      tpu.vector_store %arg9[%swap3A, %swap3A_88], %mul3A_87 {strides = array<i32>} : memref<256x768xf32, #tpu.memory_space<vmem>>, vector<256x768xf32>,
    } else {
    }
    %eq3A_16 = arith.constant 0 : i32
    %eq3A_17 = arith.cmpi eq, %get3A_6, %eq3A_16 : i32
    %convert_element_type3A_18 = arith.extui %eq3A_17 : i1 to i32
    %cond3A_19 = arith.constant 0 : i32
    %cond3A_20 = arith.cmpi ne, %convert_element_type3A_18, %cond3A_19 : i32
    scf.if %cond3A_20 {
      %broadcast_in_dim3A = arith.constant 0.000000e+00 : f32
      %broadcast_in_dim3A_21 = vector.broadcast %broadcast_in_dim3A : f32 to vector<256x768xf32>
      %swap3A = arith.constant 0 : index
      %swap3A_22 = arith.constant 0 : index
      %swap3A_23 = vector.load %arg9[%swap3A, %swap3A_22] : memref<256x768xf32, #tpu.memory_space<vmem>>, vector<256x768xf32>
      tpu.vector_store %arg9[%swap3A, %swap3A_22], %broadcast_in_dim3A_21 {strides = array<i32>} : memref<256x768xf32, #tpu.memory_space<vmem>>, vector<256x768xf32>,
    } else {
    }
    return
  }
  func.func @transform_0(%arg0: i32, %arg1: memref<16xi32, #tpu.memory_space<smem>>, %arg2: memref<16xi32, #tpu.memory_space<smem>>) -> (i32, i32) {
    %c0_i32 = arith.constant 0 : i32
    %c0_i32_0 = arith.constant 0 : i32
    %c0_i32_1 = arith.constant 0 : i32
    return %c0_i32, %c0_i32_0 : i32, i32
  }
  func.func @transform_1(%arg0: i32, %arg1: memref<16xi32, #tpu.memory_space<smem>>, %arg2: memref<16xi32, #tpu.memory_space<smem>>) -> (i32, i32) {
    %c0_i32 = arith.constant 0 : i32
    %c0_i32_0 = arith.constant 0 : i32
    %c0_i32_1 = arith.constant 0 : i32
    return %c0_i32, %c0_i32_0 : i32, i32
  }
  func.func @transform_2(%arg0: i32, %arg1: memref<16xi32, #tpu.memory_space<smem>>, %arg2: memref<16xi32, #tpu.memory_space<smem>>) -> (i32, i32) {
    %c0_i32 = arith.constant 0 : i32
    %c0_i32_0 = arith.constant 0 : i32
    %c0_i32_1 = arith.constant 0 : i32
    return %c0_i32, %c0_i32_0 : i32, i32
  }
  func.func @transform_3(%arg0: i32, %arg1: memref<16xi32, #tpu.memory_space<smem>>, %arg2: memref<16xi32, #tpu.memory_space<smem>>) -> (i32, i32, i32) {
    %get3A = arith.index_cast %arg0 : i32 to index
    %get3A_0 = memref.load %arg1[%get3A] : memref<16xi32, #tpu.memory_space<smem>>
    %c0_i32 = arith.constant 0 : i32
    %c0_i32_1 = arith.constant 0 : i32
    %c0_i32_2 = arith.constant 0 : i32
    return %get3A_0, %c0_i32, %c0_i32_1 : i32, i32, i32
  }
  func.func @transform_4(%arg0: i32, %arg1: memref<16xi32, #tpu.memory_space<smem>>, %arg2: memref<16xi32, #tpu.memory_space<smem>>) -> (i32, i32, i32) {
    %get3A = arith.index_cast %arg0 : i32 to index
    %get3A_0 = memref.load %arg1[%get3A] : memref<16xi32, #tpu.memory_space<smem>>
    %c0_i32 = arith.constant 0 : i32
    %c0_i32_1 = arith.constant 0 : i32
    %c0_i32_2 = arith.constant 0 : i32
    return %get3A_0, %c0_i32, %c0_i32_1 : i32, i32, i32
  }
  func.func @transform_5(%arg0: i32, %arg1: memref<16xi32, #tpu.memory_space<smem>>, %arg2: memref<16xi32, #tpu.memory_space<smem>>) -> (i32, i32, i32) {
    %get3A = arith.index_cast %arg0 : i32 to index
    %get3A_0 = memref.load %arg1[%get3A] : memref<16xi32, #tpu.memory_space<smem>>
    %c0_i32 = arith.constant 0 : i32
    %c0_i32_1 = arith.constant 0 : i32
    %c0_i32_2 = arith.constant 0 : i32
    return %get3A_0, %c0_i32, %c0_i32_1 : i32, i32, i32
  }
  func.func @transform_6(%arg0: i32, %arg1: memref<16xi32, #tpu.memory_space<smem>>, %arg2: memref<16xi32, #tpu.memory_space<smem>>) -> (i32, i32) {
    %c0_i32 = arith.constant 0 : i32
    %c0_i32_0 = arith.constant 0 : i32
    return %arg0, %c0_i32 : i32, i32
  }
}

module attributes {stable_mosaic.version = 14 : i64} {
  func.func @_final_body(%arg0: i32, %arg1: memref<256x768xf32, #tpu.memory_space<vmem>>, %arg2: memref<256x768xf32, #tpu.memory_space<vmem>>, %arg3: memref<256x768xf32, #tpu.memory_space<vmem>>, %arg4: memref<256x768xf32, #tpu.memory_space<vmem>>) attributes {dimension_semantics = [#tpu.dimension_semantics<arbitrary>], iteration_bounds = array<i64: 4>, scalar_prefetch = 0 : i64, scratch_operands = 0 : i64, tpu.core_type = #tpu.core_type<tc>, window_params = [{transform_indices = @transform_0, window_bounds = array<i64: 256, 768>}, {transform_indices = @transform_1, window_bounds = array<i64: 256, 768>}, {transform_indices = @transform_2, window_bounds = array<i64: 256, 768>}, {transform_indices = @transform_3, window_bounds = array<i64: 256, 768>}]} {
    %get3A = arith.constant 0 : index
    %get3A_0 = arith.constant 0 : index
    %get3A_1 = vector.load %arg1[%get3A, %get3A_0] : memref<256x768xf32, #tpu.memory_space<vmem>>, vector<256x768xf32>
    %get3A_2 = arith.constant 0 : index
    %get3A_3 = arith.constant 0 : index
    %get3A_4 = vector.load %arg2[%get3A_2, %get3A_3] : memref<256x768xf32, #tpu.memory_space<vmem>>, vector<256x768xf32>
    %add3A = arith.addf %get3A_1, %get3A_4 : vector<256x768xf32>
    %get3A_5 = arith.constant 0 : index
    %get3A_6 = arith.constant 0 : index
    %get3A_7 = vector.load %arg3[%get3A_5, %get3A_6] : memref<256x768xf32, #tpu.memory_space<vmem>>, vector<256x768xf32>
    %add3A_8 = arith.addf %add3A, %get3A_7 : vector<256x768xf32>
    %swap3A = arith.constant 0 : index
    %swap3A_9 = arith.constant 0 : index
    %swap3A_10 = vector.load %arg4[%swap3A, %swap3A_9] : memref<256x768xf32, #tpu.memory_space<vmem>>, vector<256x768xf32>
    tpu.vector_store %arg4[%swap3A, %swap3A_9], %add3A_8 {strides = array<i32>} : memref<256x768xf32, #tpu.memory_space<vmem>>, vector<256x768xf32>,
    return
  }
  func.func @transform_0(%arg0: i32) -> (i32, i32) {
    %c0_i32 = arith.constant 0 : i32
    %c0_i32_0 = arith.constant 0 : i32
    return %arg0, %c0_i32 : i32, i32
  }
  func.func @transform_1(%arg0: i32) -> (i32, i32) {
    %c0_i32 = arith.constant 0 : i32
    %c0_i32_0 = arith.constant 0 : i32
    return %arg0, %c0_i32 : i32, i32
  }
  func.func @transform_2(%arg0: i32) -> (i32, i32) {
    %add3A = arith.constant 4 : i32
    %add3A_0 = arith.addi %add3A, %arg0 : i32
    %c0_i32 = arith.constant 0 : i32
    %c0_i32_1 = arith.constant 0 : i32
    return %add3A_0, %c0_i32 : i32, i32
  }
  func.func @transform_3(%arg0: i32) -> (i32, i32) {
    %c0_i32 = arith.constant 0 : i32
    %c0_i32_0 = arith.constant 0 : i32
    return %arg0, %c0_i32 : i32, i32
  }
}

</mosaic_0001>

<sc_bundles>
// kernel: kernel.8.cloned.1.call-start
scs
__scs_entry_jumppad:
0x0: {  	(pc) =	sbr.rel $0x88, $3  }
0x1: {  	(tag) =	ssettag $0x0;
	lr =	simm.s32 $0x1  }
0x2: {  	[smem:$0x3F96] =	sst lr;
	_ =	strace $0xD0000000  }
0x3: {  	_ = 	snop  }
0x4: {  	_ = 	snop  }
0x5: {  	_ = 	snop  }
0x6: {  	_ = 	snop  }
0x7: {  	_ = 	snop  }
__scs_overlays_trampoline_lowered:
0x8: {  	[smem:$0x3FA5] =	sst s0  }
0x9: {  	[smem:$0x3FA6] =	sst s1  }
0xa: {  	[smem:$0x3FA7] =	sst s2  }
0xb: {  	[smem:$0x3FA8] =	sst s3  }
0xc: {  	[smem:$0x3FA9] =	sst s4  }
0xd: {  	[smem:$0x3FAA] =	sst s5  }
0xe: {  	[smem:$0x3FAB] =	sst s6  }
0xf: {  	[smem:$0x3FAC] =	sst s7  }
0x10: {  	[smem:$0x3FAD] =	sst s8  }
0x11: {  	[smem:$0x3FAE] =	sst s9;
	s0 =	simm.s32 @!p0 $0x0  }
0x12: {  	s1 =	sld [smem:$0x3F94];
	s0 =	simm.s32 @p0 $0x1  }
0x13: {  	[smem:$0x3FAF] =	sst s0;
	s0 =	simm.s32 @!p1 $0x0  }
0x14: {  	s2 =	sld [smem:$0x3F93];
	s0 =	simm.s32 @p1 $0x1  }
0x15: {  	[smem:$0x3FB0] =	sst s0;
	s0 =	simm.s32 @!p2 $0x0  }
0x16: {  	s3 =	sld [smem:$0x3FDB];
	s0 =	simm.s32 @p2 $0x1  }
0x17: {  	s4 =	simm.s32 $0x1BF5;
	[smem:$0x3FB2] =	sst s0  }
0x18: {  	s0 =	sld [smem:$0x3F95];
	_ =	swait.ge [sflag:s4], $0x0  }
0x19: {  	s7 =	sld [smem:$0x3F96]  }
0x1a: {  	s8 =	sadd.s32 $0xFFFFE003, lr  }
0x1b: {  	s9 =	sadd.s32 $0xFFFFFEF7, lr;
	s5 =	simm.s32 $0xFFFFFFFF;
	p2 =	slt.u32 s8, $0xFFFFF086  }
0x1c: {  	p1 =	slt.u32 s9, $0xF7A;
	s5 =	simm.s32 @!p2 $0x0  }
0x1d: {  	s5 =	simm.s32 @p1 $0x1;
	p0 =	seq.s32 s7, s2  }
0x1e: {  	s7 =	smul.u32 @!p0 $0xF7A, s2;
	p2 =	seq.s32 @!p0 s5, $0x0  }
0x1f: {  	s9 =	smul.u32 $0xF7A, s1;
	s8 =	simm.s32 @!p0 $0x1BF5;
	p2 =	por !p2, p0  }
0x20: {  	[sflag:s8] =	ssyncset.s32 @!p0 $0xFFFFF086;
	s6 =	sadd.s32 @!p0 s3, s7;
	s7 =	simm.s32 @!p0 $0x108  }
0x21: {  	s3 =	sadd.s32 s3, s9;
	s6 =	sadd.s32 @!p0 $0x88, s6;
	s7 =	simm.s32 @p2 $0x1082  }
0x22: {  	[simem:s7], [sflag:s8] =	dma.local @!p0 [hbm:s6], $0xF7A  }
0x23: {  	s9 =	sor.u32 $0xD0000000, s2;
	s6 =	simm.s32 $0x108;
	_ =	swait.ge @!p0 [sflag:s8], $0x0  }
0x24: {  	s3 =	sadd.s32 $0x88, s3;
	s6 =	simm.s32 @!p1 $0x1082;
	[sflag:s4] =	ssyncset.s32 $0xFFFFF086  }
0x25: {  	[simem:s6], [sflag:s4] =	dma.local [hbm:s3], $0xF7A  }
0x26: {  	[smem:$0x3F96] =	sst s1;
	(tag) =	ssettag s2;
	_ =	strace s9  }
0x27: {  	s1 =	sld [smem:$0x3FA6]  }
0x28: {  	s2 =	sld [smem:$0x3FA7]  }
0x29: {  	s4 =	sld [smem:$0x3FA9]  }
0x2a: {  	p0 =	seq.s32 s5, $0x0;
	s5 =	sld [smem:$0x3FAA]  }
0x2b: {  	s6 =	sld [smem:$0x3FAB]  }
0x2c: {  	s7 =	sld [smem:$0x3FAC]  }
0x2d: {  	s3 =	simm.s32 $0x108;
	s8 =	sld [smem:$0x3FAD]  }
0x2e: {  	s3 =	simm.s32 @!p0 $0x1082;
	s9 =	sld [smem:$0x3FAE]  }
0x2f: {  	lr =	sadd.s32 s0, s3;
	s0 =	sld [smem:$0x3FA5]  }
0x30: {  	s3 =	sld [smem:$0x3FA8]  }
0x31: {  	[smem:$0x3FB1] =	sst s10  }
0x32: {  	s10 =	sld [smem:$0x3FAF];
	_ =	sdelay $0x3  }
0x33: {  	p0 =	seq.s32 s10, $0x1;
	s10 =	sld [smem:$0x3FB1];
	_ =	sdelay $0x3  }
0x34: {  	[smem:$0x3FB1] =	sst s10  }
0x35: {  	s10 =	sld [smem:$0x3FB0];
	_ =	sdelay $0x3  }
0x36: {  	p1 =	seq.s32 s10, $0x1;
	s10 =	sld [smem:$0x3FB1];
	_ =	sdelay $0x3  }
0x37: {  	[smem:$0x3FB1] =	sst s10  }
0x38: {  	s10 =	sld [smem:$0x3FB2]  }
0x39: {  	_ = 	snop;
	(pc) =	sbr.ind lr, $3  }
0x3a: {  	_ = 	snop  }
0x3b: {  	_ = 	snop  }
0x3c: {  	p2 =	seq.s32 s10, $0x1;
	s10 =	sld [smem:$0x3FB1]  }
0x3d: {  	_ =	shalt  }
0x3e: {  	_ =	shalt  }
0x3f: {  	_ =	shalt  }
0x40: {  	_ =	shalt  }
0x41: {  	_ =	shalt  }
0x42: {  	_ =	shalt  }
0x43: {  	_ =	shalt  }
0x44: {  	_ =	shalt  }
0x45: {  	_ =	shalt  }
0x46: {  	_ =	shalt  }
0x47: {  	_ =	shalt  }
0x48: {  	_ =	shalt  }
0x49: {  	_ =	shalt  }
0x4a: {  	_ =	shalt  }
0x4b: {  	_ =	shalt  }
0x4c: {  	_ =	shalt  }
0x4d: {  	_ =	shalt  }
0x4e: {  	_ =	shalt  }
0x4f: {  	_ =	shalt  }
0x50: {  	_ =	shalt  }
0x51: {  	_ =	shalt  }
0x52: {  	_ =	shalt  }
0x53: {  	_ =	shalt  }
0x54: {  	_ =	shalt  }
0x55: {  	_ =	shalt  }
0x56: {  	_ =	shalt  }
0x57: {  	_ =	shalt  }
0x58: {  	_ =	shalt  }
0x59: {  	_ =	shalt  }
0x5a: {  	_ =	shalt  }
0x5b: {  	_ =	shalt  }
0x5c: {  	_ =	shalt  }
0x5d: {  	_ =	shalt  }
0x5e: {  	_ =	shalt  }
0x5f: {  	_ =	shalt  }
0x60: {  	_ =	shalt  }
0x61: {  	_ =	shalt  }
0x62: {  	_ =	shalt  }
0x63: {  	_ =	shalt  }
0x64: {  	_ =	shalt  }
0x65: {  	_ =	shalt  }
0x66: {  	_ =	shalt  }
0x67: {  	_ =	shalt  }
0x68: {  	_ =	shalt  }
0x69: {  	_ =	shalt  }
0x6a: {  	_ =	shalt  }
0x6b: {  	_ =	shalt  }
0x6c: {  	_ =	shalt  }
0x6d: {  	_ =	shalt  }
0x6e: {  	_ =	shalt  }
0x6f: {  	_ =	shalt  }
0x70: {  	_ =	shalt  }
0x71: {  	_ =	shalt  }
0x72: {  	_ =	shalt  }
0x73: {  	_ =	shalt  }
0x74: {  	_ =	shalt  }
0x75: {  	_ =	shalt  }
0x76: {  	_ =	shalt  }
0x77: {  	_ =	shalt  }
0x78: {  	_ =	shalt  }
0x79: {  	_ =	shalt  }
0x7a: {  	_ =	shalt  }
0x7b: {  	_ =	shalt  }
0x7c: {  	_ =	shalt  }
0x7d: {  	_ =	shalt  }
0x7e: {  	_ =	shalt  }
0x7f: {  	_ =	shalt  }
0x80: {  	_ =	shalt  }
0x81: {  	_ =	shalt  }
0x82: {  	_ =	shalt  }
0x83: {  	_ =	shalt  }
0x84: {  	_ =	shalt  }
0x85: {  	_ =	shalt  }
0x86: {  	_ =	shalt  }
0x87: {  	_ =	shalt  }
.Lfunc_end0:
.L_simem_size_0:
called_computation_lowered:
.L_overlay_start_0:
0x88: {  	s2 =	sld [smem:$0x3FD9]  }
0x89: {  	s3 =	sld [smem:$0x3FFE];
	_ =	sdelay $0x1  }
0x8a: {  	s1 =	srdreg.scid  }
0x8b: {  	s0 =	sand.u32 $0x1, s1  }
0x8c: {  	s14 =	sshll.u32 s0, $0xA;
	s2 =	sadd.s32 s3, s2  }
0x8d: {  	s2 =	sadd.s32 s2, s14  }
0x8e: {  	[smem:$0x3FBD] =	sst s2  }
0x8f: {  	_ = 	snop  }
0x90: {  	s2 =	sld [smem:$0x3FD0];
	_ =	sdelay $0x2  }
0x91: {  	s15 =	simm.s32 $0xA;
	s4 =	simm.s32 $0x10  }
0x92: {  	[smem:s4], [sflag:s15] =	dma.local [hbm:s2], $0x1  }
0x93: {  	_ =	swait.eq [sflag:s15], $0x1  }
0x94: {  	[sflag:s15] =	ssyncset.done $0x0  }
0x95: {  	[sflag:s15] =	ssyncadd.s32 $0xFFFFFFFF  }
0x96: {  	s16 =	sld [smem:$0x10];
	(tm) =	ssettm $0x1  }
0x97: {  	s17 =	sld [smem:$0x3FFB];
	_ =	sdelay $0x3  }
0x98: {  	_ =	strace s17  }
0x99: {  	s3 =	sld [smem:$0x3FFC];
	_ =	sdelay $0x3  }
0x9a: {  	_ =	strace s3  }
0x9b: {  	s3 =	sld [smem:$0x3FFD];
	_ =	sdelay $0x3  }
0x9c: {  	_ =	strace s3  }
0x9d: {  	_ =	strace $0x8FFFFFFF  }
0x9e: {  	s18 =	sld [smem:$0x3FDB];
	_ =	sdelay $0x1  }
0x9f: {  	s19 =	simm.s32 $_scs_section_size  }
0xa0: {  	s5 =	simm.s32 $_size__tile_overlayer_lowered;
	s6 =	simm.s32 $_tile_overlayer_lowered  }
0xa1: {  	s22 =	simm.s32 $0x1BFF;
	s21 =	sshll.u32 s6, $0x1;
	s3 =	sadd.s32 s19, s18  }
0xa2: {  	s7 =	simm.s32 $0x0;
	s20 =	sshll.u32 s5, $0x1;
	s5 =	sadd.s32 s21, s3  }
0xa3: {  	[timem:s7], [sflag:s22] =	dma.local [hbm:s5], s20  }
0xa4: {  	_ =	swait.ge [sflag:s22], s20  }
0xa5: {  	s4 =	ssub.s32 $0x0, s20;
	[sflag:s22] =	ssyncset.done $0x0  }
0xa6: {  	[sflag:s22] =	ssyncadd.s32 s4;
	_ =	sdelay $0x1  }
0xa7: {  	s23 =	simm.s32 $0x1B8B  }
0xa8: {  	_ =	swait.ge [sflag:s23], $0x1  }
0xa9: {  	[sflag:s23] =	ssyncset.done $0x0  }
0xaa: {  	s25 =	simm.s32 $0x1B8E;
	s24 =	sld [smem:$0x3FFE];
	[sflag:s23] =	ssyncadd.s32 $0xFFFFFFFF  }
0xab: {  	s26 =	simm.s32 $execute0_lowered;
	[smem:$0x3FD2] =	sst s25  }
0xac: {  	s5 =	sshll.u32 s26, $0x1;
	_ =	strace $0x80000046;
	[dreg:$0x1] =	wrdreg $0xFFFFFFFF  }
0xad: {  	s28 =	simm.s32 $_size_execute0_lowered;
	s3 =	sadd.s32 s3, s5;
	[dreg:$0x0] =	wrdreg $0x0  }
0xae: {  	s5 =	sshll.u32 s28, $0x1;
	[dreg:$0x2] =	wrdreg s3  }
0xaf: {  	[dreg:$0x3] =	wrdreg s5  }
0xb0: {  	[dreg:$0x4] =	wrdreg $0xC0  }
0xb1: {  	_ =	task [dreg:s7], $0x5FFFF  }
0xb2: {  	[dreg:$0x1] =	wrdreg $0xFFFFFFFF  }
0xb3: {  	[dreg:$0x0] =	wrdreg $0x60  }
0xb4: {  	[dreg:$0x2] =	wrdreg s24  }
0xb5: {  	[dreg:$0x3] =	wrdreg s16  }
0xb6: {  	[dreg:$0x4] =	wrdreg $0x9  }
0xb7: {  	_ =	task.clear_ibuf [dreg:s7], $0x5FFFF;
	_ =	strace $0x90000046  }
0xb8: {  	s29 =	simm.s32 $0x9;
	_ =	strace $0x80000048  }
0xb9: {  	_ =	swait.ge [sflag:s29], $0x1  }
0xba: {  	[sflag:s29] =	ssyncadd.s32 $0xFFFFFFFF  }
0xbb: {  	_ =	strace $0x90000048  }
0xbc: {  	_ =	sfence  }
0xbd: {  	s30 =	sld [smem:$0x0];
	_ =	sdelay $0x2  }
0xbe: {  	s31 =	sshll.u32 s1, $0xD;
	s1 =	sshrl.u32 s1, $0x2  }
0xbf: {  	s3 =	sand.u32 $0x4000, s31;
	s1 =	sadd.s32 s1, s30  }
0xc0: {  	s0 =	sor.u32 s3, s0;
	s1 =	sshll.u32 s1, $0x11  }
0xc1: {  	s0 =	sor.u32 s1, s0  }
0xc2: {  	s0 =	sadd.s32 $0x8F2B, s0  }
0xc3: {  	[sflag:s0] =	ssyncadd.remote.s32 $0x1  }
0xc4: {  	_ =	sfence.sel $0xFFFF  }
0xc5: {  	[dreg:$0x0] =	wrdreg $0xFFFFFFFF;
	(pc) =	sbr.abs _section_cstart, $3  }
0xc6: {  	[dreg:$0x1] =	wrdreg $0xFFFFFFFF  }
0xc7: {  	_ =	task.clear_ibuf [dreg:s7], $0x2FFFF;
	_ =	strace $0x9FFFFFFF  }
0xc8: {  	(tm) =	ssettm $0x7FFFFFFF  }
0xc9: {  	_ =	shalt  }
tec
execute0_lowered:
.L_overlay_start_1:
0x0: {  	(tag) =	ssettag $0x1  }
0x1: {  	s1 =	srdreg.scid;
	s2 =	rddreg [dreg:$0x0]  }
0x2: {  	s0 =	stileid.u32;
	s4 =	rddreg [dreg:$0x1];
	s3 =	simm.s32 $0x0  }
0x3: {  	s8 =	simm.s32 $0x80;
	s26 =	simm.s32 $0x880;
	s9 =	simm.s32 $0x1080  }
0x4: {  	s10 =	simm.s32 $0x1880;
	s11 =	simm.s32 $0x2080;
	s12 =	simm.s32 $0x2880  }
0x5: {  	s13 =	simm.s32 $0x3080;
	s14 =	simm.s32 $0x3880;
	s15 =	simm.s32 $0x4080  }
0x6: {  	s16 =	simm.s32 $0x4880;
	s17 =	simm.s32 $0x5080;
	s18 =	simm.s32 $0x5880  }
0x7: {  	s19 =	simm.s32 $0x6080;
	s20 =	simm.s32 $0x6880;
	s21 =	simm.s32 $0x7080  }
0x8: {  	s22 =	simm.s32 $0x7880;
	s23 =	simm.s32 $0x8080;
	s24 =	simm.s32 $0x8880  }
0x9: {  	s25 =	simm.s32 $0x9080;
	s28 =	simm.s32 $0xA080;
	s29 =	simm.s32 $0xA880  }
0xa: {  	s30 =	simm.s32 $0xB080;
	s31 =	simm.s32 $0xB880;
	s1 =	sand.u32 $0x1, s1  }
0xb: {  	s5 =	sshll.u32 s0, $0x4;
	[smem:$0x7FF] =	sst s3;
	s6 =	sshll.u32 s1, $0x3  }
0xc: {  	s1 =	ssub.s32 $0x2, s1;
	_ =	strace $0x80000047;
	s5 =	sor.u32 s6, s5  }
0xd: {  	[dreg:$0x5] =	wrdreg s26;
	s7 =	sshrl.u32 s1, $0x1;
	s6 =	smul.u32 $0x300, s5  }
0xe: {  	s26 =	simm.s32 $0x9880;
	s1 =	ssub.s32 s1, s7;
	s4 =	sadd.s32 s4, s5  }
0xf: {  	v2 =	vlaneseq.u32;
	s5 =	sadd.s32 $0x200, s2;
	s7 =	simm.s32 $0x2;
	s6 =	sadd.s32 s6, s2  }
0x10: {  	vm0 =	vmmov $0xffff;
	v1 =	vshrl.u32 v2, $0x3;
	[dreg:$0x3] =	wrdreg s4;
	s4 =	sadd.s32 $0x100, s2;
	s6 =	sadd.s32 $0x60000, s6  }
0x11: {  	v0 =	vand.u32 $0x7, v2;
	v2 =	vor.u32 $0x8, v2;
	v1 =	vmul.u32 $0x8, v1;
	[dreg:$0x4] =	wrdreg s6;
	s6 =	smax.u32 s1, $0x1;
	s1 =	simm.s32 $0x1  }
.LBB2_1:
0x12: {  	s0 =	rddreg [dreg:$0x3]  }
0x13: {  	[tilespmem:s3], [sflag:$0x2] =	stream.linear.gather [hbm4b:s0+s3], $0x40, $0x38;
	[tilespmem:$0xC080] =	vst v63  }
0x14: {  	_ =	swait.ge [sflag:s7], $0x40  }
0x15: {  	[sflag:s7] =	ssyncset.done $0x0  }
0x16: {  	[sflag:s7] =	ssyncadd.s32 $0xFFFFFFC0  }
0x17: {  	v3 =	vld [tilespmem:$0x0];
	_ =	sdelay $0x4  }
0x18: {  	v4 =	vshrl.u32 v3, $0x3  }
0x19: {  	v4 =	vmul.u32 $0x30, v4  }
0x1a: {  	v3 =	vand.u32 $0x7, v3  }
0x1b: {  	v3 =	vor.u32 v3, v4  }
0x1c: {  	v4 =	vperm.xlane v3, v0;
	_ =	sdelay $0x1  }
0x1d: {  	v4 =	vadd.s32 v1, v4;
	_ =	sdelay $0x3  }
0x1e: {  	v3 =	vperm.xlane v3, v2  }
0x1f: {  	[tilespmem:s8], [sflag:$0x1] =	stream.indirect_vreg.gather [hbm4b:s2+s3], $0x80, v4, vm0, $0xb8;
	[tilespmem:$0xC080] =	vst v63  }
0x20: {  	s0 =	rddreg [dreg:$0x5];
	v3 =	vadd.s32 v1, v3  }
0x21: {  	[tilespmem:s0], [sflag:$0x1] =	stream.indirect_vreg.gather [hbm4b:s4+s3], $0x80, v4, vm0, $0xb8;
	[tilespmem:$0xC080] =	vst v63  }
0x22: {  	_ = 	snop  }
0x23: {  	[tilespmem:s9], [sflag:$0x1] =	stream.indirect_vreg.gather [hbm4b:s5+s3], $0x80, v4, vm0, $0xb8;
	[tilespmem:$0xC080] =	vst v63  }
0x24: {  	_ = 	snop  }
0x25: {  	[tilespmem:s10], [sflag:$0x1] =	stream.indirect_vreg.gather [hbm4b:s2+s3], $0x80, v3, vm0, $0xb8;
	[tilespmem:$0xC080] =	vst v63  }
0x26: {  	_ = 	snop  }
0x27: {  	[tilespmem:s11], [sflag:$0x1] =	stream.indirect_vreg.gather [hbm4b:s4+s3], $0x80, v3, vm0, $0xb8;
	[tilespmem:$0xC080] =	vst v63  }
0x28: {  	_ = 	snop  }
0x29: {  	[tilespmem:s12], [sflag:$0x1] =	stream.indirect_vreg.gather [hbm4b:s5+s3], $0x80, v3, vm0, $0xb8;
	[tilespmem:$0xC080] =	vst v63  }
0x2a: {  	v3 =	vld [tilespmem:$0x10];
	_ =	sdelay $0x4  }
0x2b: {  	v61 =	vshrl.u32 v3, $0x3  }
0x2c: {  	v4 =	vmul.u32 $0x30, v61  }
0x2d: {  	v3 =	vand.u32 $0x7, v3  }
0x2e: {  	v3 =	vor.u32 v3, v4  }
0x2f: {  	v4 =	vperm.xlane v3, v0;
	_ =	sdelay $0x1  }
0x30: {  	v4 =	vadd.s32 v1, v4;
	_ =	sdelay $0x3  }
0x31: {  	v3 =	vperm.xlane v3, v2  }
0x32: {  	[tilespmem:s13], [sflag:$0x1] =	stream.indirect_vreg.gather [hbm4b:s2+s3], $0x80, v4, vm0, $0xb8;
	[tilespmem:$0xC080] =	vst v63  }
0x33: {  	v3 =	vadd.s32 v1, v3  }
0x34: {  	[tilespmem:s14], [sflag:$0x1] =	stream.indirect_vreg.gather [hbm4b:s4+s3], $0x80, v4, vm0, $0xb8;
	[tilespmem:$0xC080] =	vst v63  }
0x35: {  	_ = 	snop  }
0x36: {  	[tilespmem:s15], [sflag:$0x1] =	stream.indirect_vreg.gather [hbm4b:s5+s3], $0x80, v4, vm0, $0xb8;
	[tilespmem:$0xC080] =	vst v63  }
0x37: {  	_ = 	snop  }
0x38: {  	[tilespmem:s16], [sflag:$0x1] =	stream.indirect_vreg.gather [hbm4b:s2+s3], $0x80, v3, vm0, $0xb8;
	[tilespmem:$0xC080] =	vst v63  }
0x39: {  	_ = 	snop  }
0x3a: {  	[tilespmem:s17], [sflag:$0x1] =	stream.indirect_vreg.gather [hbm4b:s4+s3], $0x80, v3, vm0, $0xb8;
	[tilespmem:$0xC080] =	vst v63  }
0x3b: {  	_ = 	snop  }
0x3c: {  	[tilespmem:s18], [sflag:$0x1] =	stream.indirect_vreg.gather [hbm4b:s5+s3], $0x80, v3, vm0, $0xb8;
	[tilespmem:$0xC080] =	vst v63  }
0x3d: {  	v3 =	vld [tilespmem:$0x20];
	_ =	sdelay $0x4  }
0x3e: {  	v62 =	vshrl.u32 v3, $0x3  }
0x3f: {  	v4 =	vmul.u32 $0x30, v62  }
0x40: {  	v3 =	vand.u32 $0x7, v3  }
0x41: {  	v3 =	vor.u32 v3, v4  }
0x42: {  	v4 =	vperm.xlane v3, v0;
	_ =	sdelay $0x1  }
0x43: {  	v4 =	vadd.s32 v1, v4;
	_ =	sdelay $0x3  }
0x44: {  	v3 =	vperm.xlane v3, v2  }
0x45: {  	[tilespmem:s19], [sflag:$0x1] =	stream.indirect_vreg.gather [hbm4b:s2+s3], $0x80, v4, vm0, $0xb8;
	[tilespmem:$0xC080] =	vst v63  }
0x46: {  	v3 =	vadd.s32 v1, v3  }
0x47: {  	[tilespmem:s20], [sflag:$0x1] =	stream.indirect_vreg.gather [hbm4b:s4+s3], $0x80, v4, vm0, $0xb8;
	[tilespmem:$0xC080] =	vst v63  }
0x48: {  	_ = 	snop  }
0x49: {  	[tilespmem:s21], [sflag:$0x1] =	stream.indirect_vreg.gather [hbm4b:s5+s3], $0x80, v4, vm0, $0xb8;
	[tilespmem:$0xC080] =	vst v63  }
0x4a: {  	_ = 	snop  }
0x4b: {  	[tilespmem:s22], [sflag:$0x1] =	stream.indirect_vreg.gather [hbm4b:s2+s3], $0x80, v3, vm0, $0xb8;
	[tilespmem:$0xC080] =	vst v63  }
0x4c: {  	_ = 	snop  }
0x4d: {  	[tilespmem:s23], [sflag:$0x1] =	stream.indirect_vreg.gather [hbm4b:s4+s3], $0x80, v3, vm0, $0xb8;
	[tilespmem:$0xC080] =	vst v63  }
0x4e: {  	_ = 	snop  }
0x4f: {  	[tilespmem:s24], [sflag:$0x1] =	stream.indirect_vreg.gather [hbm4b:s5+s3], $0x80, v3, vm0, $0xb8;
	[tilespmem:$0xC080] =	vst v63  }
0x50: {  	v3 =	vld [tilespmem:$0x30];
	_ =	sdelay $0x4  }
0x51: {  	v63 =	vshrl.u32 v3, $0x3  }
0x52: {  	v4 =	vmul.u32 $0x30, v63  }
0x53: {  	v3 =	vand.u32 $0x7, v3  }
0x54: {  	v3 =	vor.u32 v3, v4  }
0x55: {  	v4 =	vperm.xlane v3, v0;
	_ =	sdelay $0x1  }
0x56: {  	v4 =	vadd.s32 v1, v4;
	_ =	sdelay $0x3  }
0x57: {  	v3 =	vperm.xlane v3, v2  }
0x58: {  	[tilespmem:s25], [sflag:$0x1] =	stream.indirect_vreg.gather [hbm4b:s2+s3], $0x80, v4, vm0, $0xb8;
	[tilespmem:$0xC080] =	vst v63  }
0x59: {  	v3 =	vadd.s32 v1, v3  }
0x5a: {  	[tilespmem:s26], [sflag:$0x1] =	stream.indirect_vreg.gather [hbm4b:s4+s3], $0x80, v4, vm0, $0xb8;
	[tilespmem:$0xC080] =	vst v63  }
0x5b: {  	_ = 	snop  }
0x5c: {  	[tilespmem:s28], [sflag:$0x1] =	stream.indirect_vreg.gather [hbm4b:s5+s3], $0x80, v4, vm0, $0xb8;
	[tilespmem:$0xC080] =	vst v63  }
0x5d: {  	_ = 	snop  }
0x5e: {  	[tilespmem:s29], [sflag:$0x1] =	stream.indirect_vreg.gather [hbm4b:s2+s3], $0x80, v3, vm0, $0xb8;
	[tilespmem:$0xC080] =	vst v63  }
0x5f: {  	_ = 	snop  }
0x60: {  	[tilespmem:s30], [sflag:$0x1] =	stream.indirect_vreg.gather [hbm4b:s4+s3], $0x80, v3, vm0, $0xb8;
	[tilespmem:$0xC080] =	vst v63  }
0x61: {  	_ = 	snop  }
0x62: {  	[tilespmem:s31], [sflag:$0x1] =	stream.indirect_vreg.gather [hbm4b:s5+s3], $0x80, v3, vm0, $0xb8;
	[tilespmem:$0xC080] =	vst v63  }
0x63: {  	_ =	swait.ge [sflag:s1], $0xC000  }
0x64: {  	p0 =	sne.s32 s6, $0x1;
	[sflag:s1] =	ssyncset.done $0x0  }
.Ltmp0:
0x65: {  	s0 =	rddreg [dreg:$0x4];
	[sflag:s1] =	ssyncadd.s32 $0xFFFF4000;
	(pc) =	sbr.rel @p0 .LBB2_1-.Ltmp0, $4  }
0x66: {  	[hbm4b:s0+s3] =	stream.linear.scatter [tilespmem:s8], [sflag:$0x2], $0xC000, $0x38;
	[tilespmem:$0xC080] =	vst v63  }
0x67: {  	_ =	swait.ge [sflag:s7], $0xC000  }
0x68: {  	[sflag:s7] =	ssyncset.done $0x0  }
0x69: {  	s6 =	sadd.s32 $0xFFFFFFFF, s6;
	[sflag:s7] =	ssyncadd.s32 $0xFFFF4000  }
0x6a: {  	_ =	sfence.sel $0x180000  }
0x6b: {  	[bflag:$0x0] =	sbarrier.arrive $0xFFFF  }
0x6c: {  	_ =	strace $0x90000047  }
0x6d: {  	s0 =	stileid.u32;
	[bflag:$0x2] =	sbarrier.arrive $0xFFFF  }
0x6e: {  	p0 =	sne.s32 s0, $0x0;
	s0 =	rddreg [dreg:$0x2]  }
0x6f: {  	s0 =	sadd.s32 @!p0 $0x100000, s0  }
0x70: {  	[sflag:s0] =	ssyncadd.tile.s32 @!p0 $0x1;
	_ =	shalt  }
.Lfunc_end2:
_tile_overlayer_lowered:
.L_overlay_start_2:
0x71: {  	(tag) =	ssettag $0x2  }
0x72: {  	s0 =	rddreg [dreg:$0x0];
	s2 =	stileid.u32  }
0x73: {  	s1 =	rddreg [dreg:$0x1];
	p0 =	sne.s32 s2, $0x0  }
0x74: {  	s3 =	rddreg [dreg:$0x2];
	[bflag:$0x3] =	sbarrier.arrive $0xFFFF;
	s2 =	simm.s32 @!p0 $0x1C02  }
0x75: {  	[timem:s3], [sflag:s2] =	dma.local @!p0 [hbm:s0], s1  }
0x76: {  	s0 =	simm.s32 @!p0 $0x2  }
0x77: {  	_ =	swait.ge @!p0 [sflag:s0], s1  }
0x78: {  	s1 =	ssub.s32 @!p0 $0x0, s1;
	[sflag:s0] =	ssyncset.done @!p0 $0x0  }
0x79: {  	[sflag:s0] =	ssyncadd.s32 @!p0 s1  }
0x7a: {  	[bflag:$0x3] =	sbarrier.arrive $0xFFFF  }
0x7b: {  	_ =	shalt  }

</sc_bundles>
